<compile_context>
chip_gen: v7x
topology: tpu7x:2x2x1
jax: 0.10.2.dev20260603
libtpu: 0.0.44.dev20260713+nightly
codegen_flags: <defaults>
</compile_context>

<pallas_src>
import functools

import jax
import jax.numpy as jnp
from jax import lax
from jax.experimental import pallas as pl
from jax.experimental.pallas import tpu as pltpu
from jax.experimental.pallas import tpu_sc as plsc

B, N, IN_C, CH, K, NB, NC = 4, 2048, 9, 64, 16, 7, 13
FUS = CH * NB


def _dist_kernel(x_ref, xtT_ref, sqi_ref, sqj_ref, o_ref):
    inner = jnp.dot(x_ref[0], xtT_ref[0],
                    preferred_element_type=jnp.float32)
    o_ref[0] = 2.0 * inner - sqi_ref[0] - sqj_ref[0]


def _pallas_dist(xt, sq, bn=256):
    Bt, Nn, C = xt.shape
    xtT = jnp.swapaxes(xt, 1, 2)
    sq_row = sq[:, None, :]
    sq_col = sq[:, :, None]
    grid = (Bt, Nn // bn)
    return pl.pallas_call(
        _dist_kernel,
        grid=grid,
        in_specs=[
            pl.BlockSpec((1, bn, C), lambda b, i: (b, i, 0)),
            pl.BlockSpec((1, C, Nn), lambda b, i: (b, 0, 0)),
            pl.BlockSpec((1, bn, 1), lambda b, i: (b, i, 0)),
            pl.BlockSpec((1, 1, Nn), lambda b, i: (b, 0, 0)),
        ],
        out_specs=pl.BlockSpec((1, bn, Nn), lambda b, i: (b, i, 0)),
        out_shape=jax.ShapeDtypeStruct((Bt, Nn, Nn), jnp.float32),
    )(xt, xtT, sq_col, sq_row)


def _knn_idx(x, k, d):
    xt = jnp.transpose(x[..., 0], (0, 2, 1))
    sq = jnp.sum(xt * xt, axis=-1)
    neg_dist = _pallas_dist(xt, sq)
    _, idx = jax.lax.top_k(neg_dist, k * d)
    return idx[:, :, ::d]


_NW = 32
_CHUNK = 128


def _sc_gather_rows(table, gidx):
    M = gidx.shape[0]
    R, C = table.shape
    m_per_w = M // _NW
    nchunk = m_per_w // _CHUNK
    idx2 = gidx.reshape(_NW, nchunk, _CHUNK)
    mesh = plsc.VectorSubcoreMesh(core_axis_name="c", subcore_axis_name="s")

    @functools.partial(
        pl.kernel, mesh=mesh,
        out_type=jax.ShapeDtypeStruct((M, C), jnp.float32),
        scratch_types=[
            pltpu.VMEM((nchunk, _CHUNK), jnp.int32),
            pltpu.VMEM((_CHUNK, C), jnp.float32),
            pltpu.SemaphoreType.DMA,
        ],
    )
    def gk(table_hbm, idx_hbm, out_hbm, idx_v, rows_v, sem):
        wid = lax.axis_index("s") * 2 + lax.axis_index("c")
        base = wid * m_per_w
        pltpu.sync_copy(idx_hbm.at[wid], idx_v)

        def body(j, carry):
            pltpu.async_copy(table_hbm.at[idx_v.at[j]], rows_v, sem).wait()
            pltpu.sync_copy(rows_v,
                            out_hbm.at[pl.ds(base + j * _CHUNK, _CHUNK)])
            return carry

        lax.fori_loop(0, nchunk, body, 0)

    return gk(table, idx2)


def _gather(x, idx):
    xb = x[..., 0]
    Bt, C, Nn = xb.shape
    Kk = idx.shape[2]
    tab = jnp.transpose(xb, (0, 2, 1)).reshape(Bt * Nn, C)
    Cp = 128
    if C != Cp:
        tab = jnp.pad(tab, ((0, 0), (0, Cp - C)))
    gidx = (idx + (jnp.arange(Bt, dtype=idx.dtype) * Nn)[:, None, None])
    rows = _sc_gather_rows(tab, gidx.reshape(-1).astype(jnp.int32))
    if C != Cp:
        rows = rows[:, :C]
    return jnp.transpose(rows.reshape(Bt, Nn, Kk, C), (0, 3, 1, 2))


def _bn(h, g, be):
    mu = jnp.mean(h, axis=(0, 2, 3), keepdims=True)
    var = jnp.var(h, axis=(0, 2, 3), keepdims=True)
    return (h - mu) / jnp.sqrt(var + 1e-5) * g[None, :, None, None] + be[None, :, None, None]


def _edge_conv(x, idx, W, b, g, be):
    k = idx.shape[2]
    x_i = jnp.broadcast_to(x, (x.shape[0], x.shape[1], x.shape[2], k))
    x_j = _gather(x, idx)
    hcat = jnp.concatenate([x_i, x_j - x_i], axis=1)
    h = jnp.einsum('bcnk,cd->bdnk', hcat, W) + b[None, :, None, None]
    h = jax.nn.relu(_bn(h, g, be))
    return jnp.max(h, axis=3, keepdims=True)


def _mm_kernel(x_ref, w_ref, o_ref):
    o_ref[...] = jnp.dot(x_ref[...], w_ref[...],
                         preferred_element_type=jnp.float32)


def _pallas_mm_nok(x, w, bm=512):
    M, Kd = x.shape
    _, Nd = w.shape
    bm = min(bm, M)
    grid = (M // bm,)
    return pl.pallas_call(
        _mm_kernel,
        grid=grid,
        in_specs=[
            pl.BlockSpec((bm, Kd), lambda i: (i, 0)),
            pl.BlockSpec((Kd, Nd), lambda i: (0, 0)),
        ],
        out_specs=pl.BlockSpec((bm, Nd), lambda i: (i, 0)),
        out_shape=jax.ShapeDtypeStruct((M, Nd), jnp.float32),
    )(x, w)


def _mm_acc_kernel(x_ref, w_ref, o_ref, acc_ref):
    k = pl.program_id(1)
    nk = pl.num_programs(1)

    @pl.when(k == 0)
    def _():
        acc_ref[...] = jnp.zeros_like(acc_ref)

    acc_ref[...] += jnp.dot(x_ref[...], w_ref[...],
                            preferred_element_type=jnp.float32)

    @pl.when(k == nk - 1)
    def _():
        o_ref[...] = acc_ref[...]


def _pallas_mm(x, w, bm=256, bk=512):
    M, Kd = x.shape
    _, Nd = w.shape
    if Kd <= 512:
        return _pallas_mm_nok(x, w)
    if Kd % bk != 0:
        pad = bk - Kd % bk
        x = jnp.pad(x, ((0, 0), (0, pad)))
        w = jnp.pad(w, ((0, pad), (0, 0)))
        Kd += pad
    bm = min(bm, M)
    grid = (M // bm, Kd // bk)
    return pl.pallas_call(
        _mm_acc_kernel,
        grid=grid,
        in_specs=[
            pl.BlockSpec((bm, bk), lambda i, k: (i, k)),
            pl.BlockSpec((bk, Nd), lambda i, k: (k, 0)),
        ],
        out_specs=pl.BlockSpec((bm, Nd), lambda i, k: (i, 0)),
        out_shape=jax.ShapeDtypeStruct((M, Nd), jnp.float32),
        scratch_shapes=[pltpu.VMEM((bm, Nd), jnp.float32)],
    )(x, w)


def _bn2(h, g, be):
    mu = jnp.mean(h, axis=0, keepdims=True)
    var = jnp.var(h, axis=0, keepdims=True)
    return (h - mu) / jnp.sqrt(var + 1e-5) * g[None, :] + be[None, :]


def kernel(features, head_W, head_b, head_g, head_be, blk_W, blk_b, blk_g, blk_be, fus_W, fus_b, fus_g, fus_be, p1_W, p1_b, p1_g, p1_be, p2_W, p2_b, p2_g, p2_be, p3_W, p3_b):
    x = features
    idx = _knn_idx(x[:, 0:3], K, 1)
    feats = [_edge_conv(x, idx, head_W, head_b, head_g, head_be)]
    for i in range(NB - 1):
        f = feats[-1]
        idx = _knn_idx(f, K, i + 1)
        feats.append(_edge_conv(f, idx, blk_W[i], blk_b[i], blk_g[i], blk_be[i]) + f)
    feats = jnp.concatenate(feats, axis=1)

    fm = jnp.transpose(feats[..., 0], (0, 2, 1)).reshape(B * N, FUS)
    h1 = _pallas_mm(fm, fus_W) + fus_b[None, :]
    h1 = jax.nn.relu(_bn2(h1, fus_g, fus_be))
    fused = jnp.max(h1.reshape(B, N, 1024), axis=1)
    fusedB = jnp.broadcast_to(fused[:, None, :], (B, N, 1024))
    hcat = jnp.concatenate(
        [fusedB, fm.reshape(B, N, FUS)], axis=-1).reshape(B * N, FUS + 1024)

    h2 = _pallas_mm(hcat, p1_W) + p1_b[None, :]
    h2 = jax.nn.relu(_bn2(h2, p1_g, p1_be))
    h3 = _pallas_mm(h2, p2_W) + p2_b[None, :]
    h3 = jax.nn.relu(_bn2(h3, p2_g, p2_be))
    h4 = _pallas_mm(h3, jnp.pad(p3_W, ((0, 0), (0, 128 - NC)))) \
        + jnp.pad(p3_b, (0, 128 - NC))[None, :]
    out = jnp.transpose(h4[:, :NC].reshape(B, N, NC), (0, 2, 1))
    return out

# --- scband reference (transcript-rebuilt; emitter-appended) ---
"""Pipeline reference for scband-deep-gcn-18416819765644 (READ-ONLY COPY).

The authoritative reference and input builder live on the scoring server;
editing this copy changes nothing except your own understanding.
"""

import jax, jax.numpy as jnp
import numpy as np

B, N, IN_C, CH, K, NB, NC = 4, 2048, 9, 64, 16, 7, 13
FUS = CH * NB  # 448 = channels + c_growth*(n_blocks-1)

_NAMES = ['features', 'head_W', 'head_b', 'head_g', 'head_be',
          'blk_W', 'blk_b', 'blk_g', 'blk_be',
          'fus_W', 'fus_b', 'fus_g', 'fus_be',
          'p1_W', 'p1_b', 'p1_g', 'p1_be',
          'p2_W', 'p2_b', 'p2_g', 'p2_be',
          'p3_W', 'p3_b']


def _kaiming(key, shape, fan_in):
    return jax.random.normal(key, shape, dtype=jnp.float32) * np.sqrt(2.0 / fan_in)


def setup_inputs(seed=0):
    key = jax.random.key(seed)
    ks = jax.random.split(key, 8)
    inp = {}
    inp['features'] = jax.random.normal(ks[0], (B, IN_C, N, 1), dtype=jnp.float32)
    inp['head_W'] = _kaiming(ks[1], (2 * IN_C, CH), 2 * IN_C)
    inp['head_b'] = jnp.zeros((CH,), jnp.float32)
    inp['head_g'] = jnp.ones((CH,), jnp.float32)
    inp['head_be'] = jnp.zeros((CH,), jnp.float32)
    inp['blk_W'] = _kaiming(ks[2], (NB - 1, 2 * CH, CH), 2 * CH)
    inp['blk_b'] = jnp.zeros((NB - 1, CH), jnp.float32)
    inp['blk_g'] = jnp.ones((NB - 1, CH), jnp.float32)
    inp['blk_be'] = jnp.zeros((NB - 1, CH), jnp.float32)
    inp['fus_W'] = _kaiming(ks[3], (FUS, 1024), FUS)
    inp['fus_b'] = jnp.zeros((1024,), jnp.float32)
    inp['fus_g'] = jnp.ones((1024,), jnp.float32)
    inp['fus_be'] = jnp.zeros((1024,), jnp.float32)
    inp['p1_W'] = _kaiming(ks[4], (FUS + 1024, 512), FUS + 1024)
    inp['p1_b'] = jnp.zeros((512,), jnp.float32)
    inp['p1_g'] = jnp.ones((512,), jnp.float32)
    inp['p1_be'] = jnp.zeros((512,), jnp.float32)
    inp['p2_W'] = _kaiming(ks[5], (512, 256), 512)
    inp['p2_b'] = jnp.zeros((256,), jnp.float32)
    inp['p2_g'] = jnp.ones((256,), jnp.float32)
    inp['p2_be'] = jnp.zeros((256,), jnp.float32)
    inp['p3_W'] = _kaiming(ks[6], (256, NC), 256)
    inp['p3_b'] = jnp.zeros((NC,), jnp.float32)
    return inp


def _knn_idx(x, k, d):
    # x: [B, C, N, 1] -> dilated knn indices [B, N, k]
    xt = jnp.transpose(x[..., 0], (0, 2, 1))  # [B, N, C]
    inner = jnp.einsum('bnc,bmc->bnm', xt, xt)
    sq = jnp.sum(xt * xt, axis=-1)
    neg_dist = 2.0 * inner - sq[:, :, None] - sq[:, None, :]
    _, idx = jax.lax.top_k(neg_dist, k * d)
    return idx[:, :, ::d]


def _gather(x, idx):
    # x: [B, C, N, 1], idx: [B, N, k] -> [B, C, N, k]
    xb = x[..., 0]
    return jax.vmap(lambda xc, ic: xc[:, ic])(xb, idx)


def _bn(h, g, be):
    # training-mode batch norm over (B, N, k) per channel
    mu = jnp.mean(h, axis=(0, 2, 3), keepdims=True)
    var = jnp.var(h, axis=(0, 2, 3), keepdims=True)
    return (h - mu) / jnp.sqrt(var + 1e-5) * g[None, :, None, None] + be[None, :, None, None]


def _edge_conv(x, idx, W, b, g, be):
    k = idx.shape[2]
    x_i = jnp.broadcast_to(x, (x.shape[0], x.shape[1], x.shape[2], k))
    x_j = _gather(x, idx)
    h = jnp.concatenate([x_i, x_j - x_i], axis=1)
    h = jnp.einsum('bcnk,cd->bdnk', h, W) + b[None, :, None, None]
    h = jax.nn.relu(_bn(h, g, be))
    return jnp.max(h, axis=3, keepdims=True)


def _mlp(x, W, b, g=None, be=None, act=True):
    h = jnp.einsum('bcnk,cd->bdnk', x, W) + b[None, :, None, None]
    if g is not None:
        h = _bn(h, g, be)
    if act:
        h = jax.nn.relu(h)
    return h


def _forward(features, head_W, head_b, head_g, head_be,
             blk_W, blk_b, blk_g, blk_be,
             fus_W, fus_b, fus_g, fus_be,
             p1_W, p1_b, p1_g, p1_be,
             p2_W, p2_b, p2_g, p2_be,
             p3_W, p3_b):
    x = features
    idx = _knn_idx(x[:, 0:3], K, 1)
    feats = [_edge_conv(x, idx, head_W, head_b, head_g, head_be)]
    for i in range(NB - 1):
        f = feats[-1]
        idx = _knn_idx(f, K, i + 1)  # dilation 1 + i, dynamic knn on features
        feats.append(_edge_conv(f, idx, blk_W[i], blk_b[i], blk_g[i], blk_be[i]) + f)
    feats = jnp.concatenate(feats, axis=1)  # [B, FUS, N, 1]
    fusion = _mlp(feats, fus_W, fus_b, fus_g, fus_be)
    fusion = jnp.max(fusion, axis=(2, 3), keepdims=True)
    fusion = jnp.broadcast_to(fusion, (fusion.shape[0], fusion.shape[1], feats.shape[2], 1))
    h = jnp.concatenate([fusion, feats], axis=1)
    h = _mlp(h, p1_W, p1_b, p1_g, p1_be)
    h = _mlp(h, p2_W, p2_b, p2_g, p2_be)  # dropout treated as identity
    h = _mlp(h, p3_W, p3_b, None, None, act=False)
    return h[..., 0]  # [B, n_classes, N]


def reference(features, head_W, head_b, head_g, head_be,
              blk_W, blk_b, blk_g, blk_be,
              fus_W, fus_b, fus_g, fus_be,
              p1_W, p1_b, p1_g, p1_be,
              p2_W, p2_b, p2_g, p2_be,
              p3_W, p3_b):
    return _forward(features, head_W, head_b, head_g, head_be,
                    blk_W, blk_b, blk_g, blk_be,
                    fus_W, fus_b, fus_g, fus_be,
                    p1_W, p1_b, p1_g, p1_be,
                    p2_W, p2_b, p2_g, p2_be,
                    p3_W, p3_b)

if __name__ == "__main__":
    import jax
    _d = setup_inputs()
    print(jax.jit(kernel)(*tuple(_d.values())))

</pallas_src>

<mosaic_0001>
module attributes {stable_mosaic.version = 14 : i64} {
  func.func @_mm_kernel(%arg0: i32, %arg1: memref<512x448xf32, #tpu.memory_space<vmem>>, %arg2: memref<448x1024xf32, #tpu.memory_space<vmem>>, %arg3: memref<512x1024xf32, #tpu.memory_space<vmem>>) attributes {dimension_semantics = [#tpu.dimension_semantics<arbitrary>], iteration_bounds = array<i64: 16>, scalar_prefetch = 0 : i64, scratch_operands = 0 : i64, tpu.core_type = #tpu.core_type<tc>, window_params = [{transform_indices = @transform_0, window_bounds = array<i64: 512, 448>}, {pipeline_mode = #tpu.pipeline_mode<synchronous>, transform_indices = @transform_1, window_bounds = array<i64: 448, 1024>}, {transform_indices = @transform_2, window_bounds = array<i64: 512, 1024>}]} {
    %get3A = arith.constant 0 : index
    %get3A_0 = arith.constant 0 : index
    %get3A_1 = vector.load %arg1[%get3A, %get3A_0] : memref<512x448xf32, #tpu.memory_space<vmem>>, vector<512x448xf32>
    %get3A_2 = arith.constant 0 : index
    %get3A_3 = arith.constant 0 : index
    %get3A_4 = vector.load %arg2[%get3A_2, %get3A_3] : memref<448x1024xf32, #tpu.memory_space<vmem>>, vector<448x1024xf32>
    %dot_general3A = arith.constant dense<0.000000e+00> : vector<512x1024xf32>
    %dot_general3A_5 = tpu.matmul %get3A_1, %get3A_4, %dot_general3A {dimension_numbers = #tpu.dot_dimension_numbers<[1], [0], [0], [1], [0, 0, 1, 1], [], []>, transpose_lhs_hint = false} : vector<512x448xf32>, vector<448x1024xf32>, vector<512x1024xf32> -> vector<512x1024xf32>
    %swap3A = arith.constant 0 : index
    %swap3A_6 = arith.constant 0 : index
    %swap3A_7 = vector.load %arg3[%swap3A, %swap3A_6] : memref<512x1024xf32, #tpu.memory_space<vmem>>, vector<512x1024xf32>
    tpu.vector_store %arg3[%swap3A, %swap3A_6], %dot_general3A_5 {strides = array<i32>} : memref<512x1024xf32, #tpu.memory_space<vmem>>, vector<512x1024xf32>,
    return
  }
  func.func @transform_0(%arg0: i32) -> (i32, i32) {
    %c0_i32 = arith.constant 0 : i32
    %c0_i32_0 = arith.constant 0 : i32
    return %arg0, %c0_i32 : i32, i32
  }
  func.func @transform_1(%arg0: i32) -> (i32, i32) {
    %c0_i32 = arith.constant 0 : i32
    %c0_i32_0 = arith.constant 0 : i32
    %c0_i32_1 = arith.constant 0 : i32
    return %c0_i32, %c0_i32_0 : i32, i32
  }
  func.func @transform_2(%arg0: i32) -> (i32, i32) {
    %c0_i32 = arith.constant 0 : i32
    %c0_i32_0 = arith.constant 0 : i32
    return %arg0, %c0_i32 : i32, i32
  }
}

module attributes {stable_mosaic.version = 14 : i64} {
  func.func @_mm_acc_kernel(%arg0: i32, %arg1: i32, %arg2: memref<256x512xf32, #tpu.memory_space<vmem>>, %arg3: memref<512x512xf32, #tpu.memory_space<vmem>>, %arg4: memref<256x512xf32, #tpu.memory_space<vmem>>, %arg5: memref<256x512xf32, #tpu.memory_space<vmem>>) attributes {dimension_semantics = [#tpu.dimension_semantics<arbitrary>, #tpu.dimension_semantics<arbitrary>], iteration_bounds = array<i64: 32, 3>, scalar_prefetch = 0 : i64, scratch_operands = 1 : i64, tpu.core_type = #tpu.core_type<tc>, window_params = [{transform_indices = @transform_0, window_bounds = array<i64: 256, 512>}, {transform_indices = @transform_1, window_bounds = array<i64: 512, 512>}, {transform_indices = @transform_2, window_bounds = array<i64: 256, 512>}]} {
    %eq3A = arith.constant 0 : i32
    %eq3A_0 = arith.cmpi eq, %arg1, %eq3A : i32
    %convert_element_type3A = arith.extui %eq3A_0 : i1 to i32
    %cond3A = arith.constant 0 : i32
    %cond3A_1 = arith.cmpi ne, %convert_element_type3A, %cond3A : i32
    scf.if %cond3A_1 {
      %broadcast_in_dim3A = arith.constant 0.000000e+00 : f32
      %broadcast_in_dim3A_18 = vector.broadcast %broadcast_in_dim3A : f32 to vector<256x512xf32>
      %swap3A_19 = arith.constant 0 : index
      %swap3A_20 = arith.constant 0 : index
      %swap3A_21 = vector.load %arg5[%swap3A_19, %swap3A_20] : memref<256x512xf32, #tpu.memory_space<vmem>>, vector<256x512xf32>
      tpu.vector_store %arg5[%swap3A_19, %swap3A_20], %broadcast_in_dim3A_18 {strides = array<i32>} : memref<256x512xf32, #tpu.memory_space<vmem>>, vector<256x512xf32>,
    } else {
    }
    %get3A = arith.constant 0 : index
    %get3A_2 = arith.constant 0 : index
    %get3A_3 = vector.load %arg5[%get3A, %get3A_2] : memref<256x512xf32, #tpu.memory_space<vmem>>, vector<256x512xf32>
    %get3A_4 = arith.constant 0 : index
    %get3A_5 = arith.constant 0 : index
    %get3A_6 = vector.load %arg2[%get3A_4, %get3A_5] : memref<256x512xf32, #tpu.memory_space<vmem>>, vector<256x512xf32>
    %get3A_7 = arith.constant 0 : index
    %get3A_8 = arith.constant 0 : index
    %get3A_9 = vector.load %arg3[%get3A_7, %get3A_8] : memref<512x512xf32, #tpu.memory_space<vmem>>, vector<512x512xf32>
    %dot_general3A = arith.constant dense<0.000000e+00> : vector<256x512xf32>
    %dot_general3A_10 = tpu.matmul %get3A_6, %get3A_9, %dot_general3A {dimension_numbers = #tpu.dot_dimension_numbers<[1], [0], [0], [1], [0, 0, 1, 1], [], []>, transpose_lhs_hint = false} : vector<256x512xf32>, vector<512x512xf32>, vector<256x512xf32> -> vector<256x512xf32>
    %add3A = arith.addf %get3A_3, %dot_general3A_10 : vector<256x512xf32>
    %swap3A = arith.constant 0 : index
    %swap3A_11 = arith.constant 0 : index
    %swap3A_12 = vector.load %arg5[%swap3A, %swap3A_11] : memref<256x512xf32, #tpu.memory_space<vmem>>, vector<256x512xf32>
    tpu.vector_store %arg5[%swap3A, %swap3A_11], %add3A {strides = array<i32>} : memref<256x512xf32, #tpu.memory_space<vmem>>, vector<256x512xf32>,
    %eq3A_13 = arith.constant 2 : i32
    %eq3A_14 = arith.cmpi eq, %arg1, %eq3A_13 : i32
    %convert_element_type3A_15 = arith.extui %eq3A_14 : i1 to i32
    %cond3A_16 = arith.constant 0 : i32
    %cond3A_17 = arith.cmpi ne, %convert_element_type3A_15, %cond3A_16 : i32
    scf.if %cond3A_17 {
      %get3A_18 = arith.constant 0 : index
      %get3A_19 = arith.constant 0 : index
      %get3A_20 = vector.load %arg5[%get3A_18, %get3A_19] : memref<256x512xf32, #tpu.memory_space<vmem>>, vector<256x512xf32>
      %swap3A_21 = arith.constant 0 : index
      %swap3A_22 = arith.constant 0 : index
      %swap3A_23 = vector.load %arg4[%swap3A_21, %swap3A_22] : memref<256x512xf32, #tpu.memory_space<vmem>>, vector<256x512xf32>
      tpu.vector_store %arg4[%swap3A_21, %swap3A_22], %get3A_20 {strides = array<i32>} : memref<256x512xf32, #tpu.memory_space<vmem>>, vector<256x512xf32>,
    } else {
    }
    return
  }
  func.func @transform_0(%arg0: i32, %arg1: i32) -> (i32, i32) {
    %c0_i32 = arith.constant 0 : i32
    return %arg0, %arg1 : i32, i32
  }
  func.func @transform_1(%arg0: i32, %arg1: i32) -> (i32, i32) {
    %c0_i32 = arith.constant 0 : i32
    %c0_i32_0 = arith.constant 0 : i32
    return %arg1, %c0_i32 : i32, i32
  }
  func.func @transform_2(%arg0: i32, %arg1: i32) -> (i32, i32) {
    %c0_i32 = arith.constant 0 : i32
    %c0_i32_0 = arith.constant 0 : i32
    return %arg0, %c0_i32 : i32, i32
  }
}

module attributes {stable_mosaic.version = 14 : i64} {
  func.func @_mm_kernel(%arg0: i32, %arg1: memref<512x512xf32, #tpu.memory_space<vmem>>, %arg2: memref<512x256xf32, #tpu.memory_space<vmem>>, %arg3: memref<512x256xf32, #tpu.memory_space<vmem>>) attributes {dimension_semantics = [#tpu.dimension_semantics<arbitrary>], iteration_bounds = array<i64: 16>, scalar_prefetch = 0 : i64, scratch_operands = 0 : i64, tpu.core_type = #tpu.core_type<tc>, window_params = [{transform_indices = @transform_0, window_bounds = array<i64: 512, 512>}, {pipeline_mode = #tpu.pipeline_mode<synchronous>, transform_indices = @transform_1, window_bounds = array<i64: 512, 256>}, {transform_indices = @transform_2, window_bounds = array<i64: 512, 256>}]} {
    %get3A = arith.constant 0 : index
    %get3A_0 = arith.constant 0 : index
    %get3A_1 = vector.load %arg1[%get3A, %get3A_0] : memref<512x512xf32, #tpu.memory_space<vmem>>, vector<512x512xf32>
    %get3A_2 = arith.constant 0 : index
    %get3A_3 = arith.constant 0 : index
    %get3A_4 = vector.load %arg2[%get3A_2, %get3A_3] : memref<512x256xf32, #tpu.memory_space<vmem>>, vector<512x256xf32>
    %dot_general3A = arith.constant dense<0.000000e+00> : vector<512x256xf32>
    %dot_general3A_5 = tpu.matmul %get3A_1, %get3A_4, %dot_general3A {dimension_numbers = #tpu.dot_dimension_numbers<[1], [0], [0], [1], [0, 0, 1, 1], [], []>, transpose_lhs_hint = false} : vector<512x512xf32>, vector<512x256xf32>, vector<512x256xf32> -> vector<512x256xf32>
    %swap3A = arith.constant 0 : index
    %swap3A_6 = arith.constant 0 : index
    %swap3A_7 = vector.load %arg3[%swap3A, %swap3A_6] : memref<512x256xf32, #tpu.memory_space<vmem>>, vector<512x256xf32>
    tpu.vector_store %arg3[%swap3A, %swap3A_6], %dot_general3A_5 {strides = array<i32>} : memref<512x256xf32, #tpu.memory_space<vmem>>, vector<512x256xf32>,
    return
  }
  func.func @transform_0(%arg0: i32) -> (i32, i32) {
    %c0_i32 = arith.constant 0 : i32
    %c0_i32_0 = arith.constant 0 : i32
    return %arg0, %c0_i32 : i32, i32
  }
  func.func @transform_1(%arg0: i32) -> (i32, i32) {
    %c0_i32 = arith.constant 0 : i32
    %c0_i32_0 = arith.constant 0 : i32
    %c0_i32_1 = arith.constant 0 : i32
    return %c0_i32, %c0_i32_0 : i32, i32
  }
  func.func @transform_2(%arg0: i32) -> (i32, i32) {
    %c0_i32 = arith.constant 0 : i32
    %c0_i32_0 = arith.constant 0 : i32
    return %arg0, %c0_i32 : i32, i32
  }
}

module attributes {stable_mosaic.version = 14 : i64} {
  func.func @_mm_kernel(%arg0: i32, %arg1: memref<512x256xf32, #tpu.memory_space<vmem>>, %arg2: memref<256x128xf32, #tpu.memory_space<vmem>>, %arg3: memref<512x128xf32, #tpu.memory_space<vmem>>) attributes {dimension_semantics = [#tpu.dimension_semantics<arbitrary>], iteration_bounds = array<i64: 16>, scalar_prefetch = 0 : i64, scratch_operands = 0 : i64, tpu.core_type = #tpu.core_type<tc>, window_params = [{transform_indices = @transform_0, window_bounds = array<i64: 512, 256>}, {pipeline_mode = #tpu.pipeline_mode<synchronous>, transform_indices = @transform_1, window_bounds = array<i64: 256, 128>}, {transform_indices = @transform_2, window_bounds = array<i64: 512, 128>}]} {
    %get3A = arith.constant 0 : index
    %get3A_0 = arith.constant 0 : index
    %get3A_1 = vector.load %arg1[%get3A, %get3A_0] : memref<512x256xf32, #tpu.memory_space<vmem>>, vector<512x256xf32>
    %get3A_2 = arith.constant 0 : index
    %get3A_3 = arith.constant 0 : index
    %get3A_4 = vector.load %arg2[%get3A_2, %get3A_3] : memref<256x128xf32, #tpu.memory_space<vmem>>, vector<256x128xf32>
    %dot_general3A = arith.constant dense<0.000000e+00> : vector<512x128xf32>
    %dot_general3A_5 = tpu.matmul %get3A_1, %get3A_4, %dot_general3A {dimension_numbers = #tpu.dot_dimension_numbers<[1], [0], [0], [1], [0, 0, 1, 1], [], []>, transpose_lhs_hint = false} : vector<512x256xf32>, vector<256x128xf32>, vector<512x128xf32> -> vector<512x128xf32>
    %swap3A = arith.constant 0 : index
    %swap3A_6 = arith.constant 0 : index
    %swap3A_7 = vector.load %arg3[%swap3A, %swap3A_6] : memref<512x128xf32, #tpu.memory_space<vmem>>, vector<512x128xf32>
    tpu.vector_store %arg3[%swap3A, %swap3A_6], %dot_general3A_5 {strides = array<i32>} : memref<512x128xf32, #tpu.memory_space<vmem>>, vector<512x128xf32>,
    return
  }
  func.func @transform_0(%arg0: i32) -> (i32, i32) {
    %c0_i32 = arith.constant 0 : i32
    %c0_i32_0 = arith.constant 0 : i32
    return %arg0, %c0_i32 : i32, i32
  }
  func.func @transform_1(%arg0: i32) -> (i32, i32) {
    %c0_i32 = arith.constant 0 : i32
    %c0_i32_0 = arith.constant 0 : i32
    %c0_i32_1 = arith.constant 0 : i32
    return %c0_i32, %c0_i32_0 : i32, i32
  }
  func.func @transform_2(%arg0: i32) -> (i32, i32) {
    %c0_i32 = arith.constant 0 : i32
    %c0_i32_0 = arith.constant 0 : i32
    return %arg0, %c0_i32 : i32, i32
  }
}

</mosaic_0001>

<sc_bundles>
// kernel: sparse-core-data-format-call.1.cloned.1.call-start
scs
called_computation.1_lowered:
.L_overlay_start_0:
0x0: {  	s1 =	sld [smem:$0x3FD9]  }
0x1: {  	s2 =	sld [smem:$0x3FFE];
	_ =	sdelay $0x1  }
0x2: {  	s3 =	srdreg.scid  }
0x3: {  	s0 =	sand.u32 $0x1, s3  }
0x4: {  	s17 =	sshll.u32 s0, $0xA;
	s1 =	sadd.s32 s2, s1  }
0x5: {  	s1 =	sadd.s32 s1, s17  }
0x6: {  	[smem:$0x3FB1] =	sst s1  }
0x7: {  	_ = 	snop  }
0x8: {  	(tm) =	ssettm $0x1  }
0x9: {  	s18 =	sld [smem:$0x3FFB];
	_ =	sdelay $0x3  }
0xa: {  	_ =	strace s18  }
0xb: {  	s1 =	sld [smem:$0x3FFC];
	_ =	sdelay $0x3  }
0xc: {  	_ =	strace s1  }
0xd: {  	s1 =	sld [smem:$0x3FFD];
	_ =	sdelay $0x3  }
0xe: {  	_ =	strace s1  }
0xf: {  	_ =	strace $0x8FFFFFFF  }
0x10: {  	s19 =	sld [smem:$0x3FDB];
	_ =	sdelay $0x1  }
0x11: {  	s20 =	simm.s32 $_scs_section_size  }
0x12: {  	s4 =	simm.s32 $_size__tile_overlayer_lowered;
	s5 =	simm.s32 $_tile_overlayer_lowered  }
0x13: {  	s23 =	simm.s32 $0x1BFF;
	s22 =	sshll.u32 s5, $0x1;
	s1 =	sadd.s32 s20, s19  }
0x14: {  	s6 =	simm.s32 $0x0;
	s21 =	sshll.u32 s4, $0x1;
	s4 =	sadd.s32 s22, s1  }
0x15: {  	[timem:s6], [sflag:s23] =	dma.local [hbm:s4], s21  }
0x16: {  	_ =	swait.ge [sflag:s23], s21  }
0x17: {  	s2 =	ssub.s32 $0x0, s21;
	[sflag:s23] =	ssyncset.done $0x0  }
0x18: {  	[sflag:s23] =	ssyncadd.s32 s2;
	_ =	sdelay $0x1  }
0x19: {  	s24 =	simm.s32 $0x1B8B  }
0x1a: {  	_ =	swait.ge [sflag:s24], $0x1  }
0x1b: {  	[sflag:s24] =	ssyncset.done $0x0  }
0x1c: {  	s26 =	simm.s32 $0x1B8E;
	s25 =	sld [smem:$0x3FFE];
	[sflag:s24] =	ssyncadd.s32 $0xFFFFFFFF  }
0x1d: {  	s27 =	simm.s32 $execute0_lowered;
	[smem:$0x3FD2] =	sst s26  }
0x1e: {  	s4 =	sshll.u32 s27, $0x1;
	_ =	strace $0x80000067;
	[dreg:$0x1] =	wrdreg $0xFFFFFFFF  }
0x1f: {  	s28 =	simm.s32 $_size_execute0_lowered;
	s1 =	sadd.s32 s1, s4;
	[dreg:$0x0] =	wrdreg $0x0  }
0x20: {  	s4 =	sshll.u32 s28, $0x1;
	[dreg:$0x2] =	wrdreg s1  }
0x21: {  	[dreg:$0x3] =	wrdreg s4  }
0x22: {  	[dreg:$0x4] =	wrdreg $0xC0  }
0x23: {  	_ =	task [dreg:s6], $0x5FFFF  }
0x24: {  	[dreg:$0x1] =	wrdreg $0xFFFFFFFF  }
0x25: {  	[dreg:$0x0] =	wrdreg $0x60  }
0x26: {  	[dreg:$0x2] =	wrdreg s25  }
0x27: {  	[dreg:$0x3] =	wrdreg $0x9  }
0x28: {  	_ =	task.clear_ibuf [dreg:s6], $0x4FFFF;
	_ =	strace $0x90000067  }
0x29: {  	s29 =	simm.s32 $0x9;
	_ =	strace $0x80000069  }
0x2a: {  	_ =	swait.ge [sflag:s29], $0x1  }
0x2b: {  	[sflag:s29] =	ssyncadd.s32 $0xFFFFFFFF  }
0x2c: {  	_ =	strace $0x90000069  }
0x2d: {  	_ =	sfence  }
0x2e: {  	s30 =	sld [smem:$0x0];
	_ =	sdelay $0x2  }
0x2f: {  	s31 =	sshll.u32 s3, $0xD;
	s3 =	sshrl.u32 s3, $0x2  }
0x30: {  	s2 =	sand.u32 $0x4000, s31;
	s1 =	sadd.s32 s3, s30  }
0x31: {  	s0 =	sor.u32 s2, s0;
	s1 =	sshll.u32 s1, $0x11  }
0x32: {  	s0 =	sor.u32 s1, s0  }
0x33: {  	s0 =	sadd.s32 $0x8F2B, s0  }
0x34: {  	[sflag:s0] =	ssyncadd.remote.s32 $0x1  }
0x35: {  	_ =	sfence.sel $0xFFFF  }
0x36: {  	[dreg:$0x0] =	wrdreg $0xFFFFFFFF;
	(pc) =	sbr.abs _section_cstart, $3  }
0x37: {  	[dreg:$0x1] =	wrdreg $0xFFFFFFFF  }
0x38: {  	_ =	task.clear_ibuf [dreg:s6], $0x2FFFF;
	_ =	strace $0x9FFFFFFF  }
0x39: {  	(tm) =	ssettm $0x7FFFFFFF  }
tec
execute0_lowered:
.L_overlay_start_1:
0x0: {  	(tag) =	ssettag $0x1  }
0x1: {  	s0 =	stileid.u32;
	s1 =	srdreg.scid  }
0x2: {  	s4 =	rddreg [dreg:$0x0];
	s7 =	simm.s32 $0x1;
	s31 =	simm.s32 $0x2  }
0x3: {  	s16 =	simm.s32 $0x0;
	s2 =	sshll.u32 s0, $0x5;
	s1 =	sshll.u32 s1, $0x9  }
0x4: {  	s9 =	simm.s32 $0x4000;
	s14 =	simm.s32 $0x0;
	s1 =	sor.u32 s2, s1  }
0x5: {  	s15 =	simm.s32 $0x0;
	s10 =	simm.s32 $0x0;
	s2 =	sand.u32 $0x380, s1  }
0x6: {  	s13 =	simm.s32 $0x0;
	s3 =	sadd.s32 $0x270000, s4;
	s5 =	ssub.s32 $0x800, s2  }
0x7: {  	s4 =	sadd.s32 $0x511C00, s4;
	s1 =	rddreg [dreg:$0x1];
	s6 =	sand.u32 $0x380, s5  }
.Ltmp0:
0x8: {  	_ =	strace $0x80000068;
	p0 =	sne.s32 s6, $0x0;
	(pc) =	sbr.rel .LBB1_1-.Ltmp0, $4  }
0x9: {  	s11 =	smov.u32 s2;
	s8 =	sshrl.u32 s5, $0xA;
	s7 =	simm.s32 @!p0 $0x0  }
0xa: {  	s5 =	sand.u32 $0x3, s0;
	s6 =	simm.s32 $0x1;
	s7 =	sadd.s32 s7, s8  }
0xb: {  	s12 =	smov.u32 s5;
	[sflag:s6] =	ssyncpa.u1 $0x0;
	s7 =	sshll.u32 s7, $0x4  }
0xc: {  	p0 =	por $0x0, $0x0;
	[sflag:s31] =	ssyncpa.u1 $0x0;
	s8 =	sor.u32 $0x1, s7  }
.LBB1_4:
0xd: {  	v5 =	vld [tilespmem:s19+$0xFFFFFFD0]  }
0xe: {  	[tilespmem:s20+$0x2040 ss:$0x81] =	vst.msk $0xffff, v1;
	v58 =	vld [tilespmem:s19+$0xFFFFFFE0]  }
0xf: {  	[tilespmem:s20+$0x2850 ss:$0x81] =	vst.msk $0xffff, v2;
	v59 =	vld [tilespmem:s19+$0xFFFFFFF0]  }
0x10: {  	s21 =	sshra.s32 s21, $0x2;
	[tilespmem:s20+$0x3060 ss:$0x81] =	vst.msk $0xffff, v3;
	v60 =	vld [tilespmem:s19+$0x0]  }
0x11: {  	[tilespmem:s20+$0x0 ss:$0x81] =	vst.msk $0xffff, v0;
	v61 =	vld [tilespmem:s19+$0x10];
	s18 =	sadd.s32 s21, s18  }
0x12: {  	s26 =	sshll.u32 s16, $0xB;
	v62 =	vld [tilespmem:s19+$0x20];
	[tilespmem:s18+$0x3870 ss:$0x81] =	vst.msk $0xffff, v4  }
0x13: {  	s27 =	sand.u32 $0x78, s14;
	s22 =	sshll.u32 s14, $0x3;
	v63 =	vld [tilespmem:s19+$0xFFFFFFC0];
	s29 =	sshll.u32 s16, $0x7;
	[tilespmem:s18+$0x810 ss:$0x81] =	vst.msk $0xffff, v5  }
0x14: {  	s15 =	sshll.u32 s15, $0x13;
	s20 =	sand.u32 $0x3FC000, s26;
	s28 =	sand.u32 $0x3FFC00, s22;
	[tilespmem:s18+$0x1020 ss:$0x81] =	vst.msk $0xffff, v58  }
0x15: {  	s31 =	sand.u32 $0x7, s14;
	s22 =	sand.u32 $0x400, s22;
	s19 =	sadd.s32 s28, s20;
	[tilespmem:s18+$0x1830 ss:$0x81] =	vst.msk $0xffff, v59  }
0x16: {  	s16 =	sand.u32 $0x380, s29;
	s30 =	sor.u32 s27, s22;
	s19 =	sshrl.u32 s19, $0x3;
	[tilespmem:s18+$0x2040 ss:$0x81] =	vst.msk $0xffff, v60  }
0x17: {  	s15 =	sadd.s32 s4, s15;
	s16 =	sor.u32 s16, s30;
	s19 =	sand.u32 $0x7FF00, s19;
	[tilespmem:s18+$0x2850 ss:$0x81] =	vst.msk $0xffff, v61  }
0x18: {  	s14 =	sshll.u32 s31, $0x12;
	s16 =	sshrl.u32 s16, $0x3;
	[tilespmem:s18+$0x3060 ss:$0x81] =	vst.msk $0xffff, v62;
	s15 =	sadd.s32 s19, s15  }
0x19: {  	s14 =	sor.u32 $0x400, s14;
	[tilespmem:s18+$0x0 ss:$0x81] =	vst.msk $0xffff, v63;
	s15 =	sadd.s32 s16, s15  }
0x1a: {  	[hbm4b:s15+s14] =	stream.strided.scatter [tilespmem:s17], [sflag:$0x2], $0x4000, s9, s14, $0x20;
	[tilespmem:$0x10100] =	vst v63  }
.LBB1_5:
0x1b: {  	s17 =	sadd.s32 $0x80, s10  }
0x1c: {  	s14 =	sadd.s32 $0x400, s11;
	s18 =	smov.u32 s11;
	p2 =	sgt.s32 s17, $0x7FF  }
0x1d: {  	s18 =	smov.u32 @p2 s14  }
0x1e: {  	s20 =	smov.u32 s12;
	s14 =	sadd.s32 $0x4, s12;
	p3 =	sgt.s32 s18, $0x7FF  }
0x1f: {  	s20 =	smov.u32 @p3 s14  }
0x20: {  	s17 =	simm.s32 @p2 $0x0;
	p2 =	sgt.s32 s20, $0x3  }
0x21: {  	p1 =	slt.u32 s13, $0x2;
	s20 =	smov.u32 @p2 s5;
	p2 =	sne.s32 s13, s8  }
.Ltmp1:
0x22: {  	s19 =	simm.s32 @!p1 $0x2;
	(pc) =	sbr.rel @!p2 .LBB1_6-.Ltmp1, $4  }
0x23: {  	s16 =	smov.u32 s10;
	s15 =	smov.u32 s12;
	_ =	swait.ge @!p1 [sflag:s19], $0x4000  }
0x24: {  	p0 =	por !p0, !p0;
	[sflag:s19] =	ssyncset.done @!p1 $0x0;
	s10 =	smov.u32 s17  }
0x25: {  	s18 =	smov.u32 @p3 s2;
	s14 =	smov.u32 s11;
	[sflag:s19] =	ssyncadd.s32 @!p1 $0xFFFFC000  }
0x26: {  	s11 =	smov.u32 s18;
	s13 =	sadd.s32 $0x1, s13;
	s12 =	smov.u32 s20  }
.LBB1_1:
0x27: {  	p1 =	sge.u32 s13, s7;
	s31 =	sadd.s32 $0xFFFFFFFF, s13  }
0x28: {  	s17 =	sxor.u32 @!p1 $0xFFFFFFFF, s13;
	s18 =	sand.u32 @!p1 $0x78, s10;
	s19 =	sshll.u32 @!p1 s11, $0xB  }
0x29: {  	s20 =	sshll.u32 @!p1 s11, $0x7;
	s21 =	sshll.u32 @!p1 s10, $0x3;
	s17 =	sshll.u32 @!p1 s17, $0xE  }
0x2a: {  	s19 =	sand.u32 @!p1 $0x3FC000, s19;
	s20 =	sand.u32 @!p1 $0x380, s20;
	s17 =	sand.u32 @!p1 $0x4000, s17  }
0x2b: {  	s19 =	sadd.s32 @!p1 s19, s21;
	s21 =	sand.u32 @!p1 $0x400, s21;
	s18 =	sor.u32 @!p1 s20, s18  }
0x2c: {  	s20 =	sshll.u32 @!p1 s12, $0x13;
	s18 =	sor.u32 @!p1 s21, s18;
	s19 =	sshrl.u32 @!p1 s19, $0x3  }
0x2d: {  	s20 =	sadd.s32 @!p1 s3, s20;
	s21 =	sand.u32 @!p1 $0x7, s10;
	s19 =	sand.u32 @!p1 $0x7FF00, s19  }
0x2e: {  	s18 =	sshrl.u32 @!p1 s18, $0x3;
	s19 =	sadd.s32 @!p1 s19, s20;
	s20 =	sshll.u32 @!p1 s21, $0x12  }
0x2f: {  	s18 =	sadd.s32 @!p1 s18, s19;
	s19 =	sor.u32 @!p1 $0x400, s20;
	s20 =	simm.s32 @!p1 $0x4000  }
0x30: {  	[tilespmem:s17], [sflag:$0x1] =	stream.strided.gather @!p1 [hbm4b:s18+s19], $0x4000, s20, s19, $0x38;
	[tilespmem:$0x10100] =	vst v63  }
0x31: {  	p1 =	sge.u32 s31, s7  }
.Ltmp2:
0x32: {  	_ = 	snop;
	(pc) =	sbr.rel @p1 .LBB1_5-.Ltmp2, $1  }
0x33: {  	_ =	sdelay $0x3  }
0x34: {  	s17 =	simm.s32 $0x1  }
0x35: {  	_ =	swait.ge [sflag:s6], $0x4000;
	s17 =	simm.s32 @!p0 $0x0  }
0x36: {  	[sflag:s6] =	ssyncset.done $0x0;
	s18 =	sshll.u32 s17, $0xE  }
0x37: {  	[sflag:s6] =	ssyncadd.s32 $0xFFFFC000;
	s19 =	sor.u32 $0x40, s18  }
0x38: {  	s17 =	smul.u32 $0x10200, s17;
	v0 =	vld [tilespmem:s19+$0x30]  }
0x39: {  	v3 =	vld [tilespmem:s19+$0xFFFFFFD0]  }
0x3a: {  	s17 =	sshrl.u32 s17, $0x2;
	v4 =	vld [tilespmem:s19+$0xFFFFFFE0]  }
0x3b: {  	v5 =	vld [tilespmem:s19+$0xFFFFFFF0];
	s18 =	sor.u32 $0x8000, s17  }
0x3c: {  	s31 =	sand.u32 $0x1, s13;
	v1 =	vld [tilespmem:s19+$0x0];
	s20 =	sadd.s32 $0x0, s18  }
0x3d: {  	v2 =	vld [tilespmem:s19+$0x10];
	s17 =	smul.u32 $0x10200, s31;
	[tilespmem:s20+$0x3870 ss:$0x81] =	vst.msk $0xffff, v0  }
0x3e: {  	[tilespmem:s20+$0x810 ss:$0x81] =	vst.msk $0xffff, v3;
	v3 =	vld [tilespmem:s19+$0x20]  }
0x3f: {  	s17 =	sshrl.u32 s17, $0x2;
	v0 =	vld [tilespmem:s19+$0xFFFFFFC0];
	[tilespmem:s20+$0x1020 ss:$0x81] =	vst.msk $0xffff, v4;
	s19 =	sadd.s32 $0x80, s19  }
0x40: {  	s21 =	simm.s32 $0x4;
	s22 =	simm.s32 $0x8;
	s17 =	sor.u32 $0x8000, s17;
	[tilespmem:s20+$0x1830 ss:$0x81] =	vst.msk $0xffff, v5;
	v4 =	vld [tilespmem:s19+$0x30]  }
.LBB1_3:
0x41: {  	p1 =	sne.s32 s22, $0x1FC;
	v5 =	vld [tilespmem:s19+$0xFFFFFFD0];
	[tilespmem:s20+$0x2040 ss:$0x81] =	vst.msk $0xffff, v1  }
0x42: {  	v6 =	vld [tilespmem:s19+$0xFFFFFFE0];
	[tilespmem:s20+$0x2850 ss:$0x81] =	vst.msk $0xffff, v2  }
0x43: {  	s23 =	sshra.s32 s21, $0x2;
	s21 =	smov.u32 s22;
	v7 =	vld [tilespmem:s19+$0xFFFFFFF0];
	[tilespmem:s20+$0x3060 ss:$0x81] =	vst.msk $0xffff, v3  }
.Ltmp3:
0x44: {  	v1 =	vld [tilespmem:s19+$0x0];
	[tilespmem:s20+$0x0 ss:$0x81] =	vst.msk $0xffff, v0;
	s20 =	sadd.s32 s23, s18;
	(pc) =	sbr.rel @p1 .LBB1_3-.Ltmp3, $4  }
0x45: {  	v2 =	vld [tilespmem:s19+$0x10];
	[tilespmem:s20+$0x3870 ss:$0x81] =	vst.msk $0xffff, v4  }
0x46: {  	[tilespmem:s20+$0x810 ss:$0x81] =	vst.msk $0xffff, v5;
	v3 =	vld [tilespmem:s19+$0x20]  }
0x47: {  	v0 =	vld [tilespmem:s19+$0xFFFFFFC0];
	[tilespmem:s20+$0x1020 ss:$0x81] =	vst.msk $0xffff, v6;
	s19 =	sadd.s32 $0x80, s19  }
0x48: {  	s22 =	sadd.s32 $0x4, s22;
	v4 =	vld [tilespmem:s19+$0x30];
	[tilespmem:s20+$0x1830 ss:$0x81] =	vst.msk $0xffff, v7  }
.Ltmp4:
0x49: {  	_ = 	snop;
	(pc) =	sbr.rel .LBB1_4-.Ltmp4, $1  }
0x4a: {  	_ =	sdelay $0x3  }
.LBB1_6:
0x4b: {  	_ =	sfence.sel $0x180000  }
0x4c: {  	s2 =	simm.s32 $0x1;
	[bflag:$0x0] =	sbarrier.arrive $0xFFFF  }
0x4d: {  	s31 =	simm.s32 $0x2;
	[sflag:s2] =	ssyncpa.u1 $0x1  }
0x4e: {  	[sflag:s31] =	ssyncpa.u1 $0x1  }
0x4f: {  	p0 =	sne.s32 s0, $0x0;
	_ =	strace $0x90000068  }
0x50: {  	s0 =	sadd.s32 @!p0 $0x100000, s1;
	[bflag:$0x2] =	sbarrier.arrive $0xFFFF  }
0x51: {  	[sflag:s0] =	ssyncadd.tile.s32 @!p0 $0x1;
	_ =	shalt  }
.Lfunc_end1:
_tile_overlayer_lowered:
.L_overlay_start_2:
0x52: {  	(tag) =	ssettag $0x2  }
0x53: {  	s0 =	rddreg [dreg:$0x0];
	s2 =	stileid.u32  }
0x54: {  	s1 =	rddreg [dreg:$0x1];
	p0 =	sne.s32 s2, $0x0  }
0x55: {  	s3 =	rddreg [dreg:$0x2];
	[bflag:$0x3] =	sbarrier.arrive $0xFFFF;
	s2 =	simm.s32 @!p0 $0x1C01  }
0x56: {  	[timem:s3], [sflag:s2] =	dma.local @!p0 [hbm:s0], s1  }
0x57: {  	s0 =	simm.s32 @!p0 $0x1  }
0x58: {  	_ =	swait.ge @!p0 [sflag:s0], s1  }
0x59: {  	s1 =	ssub.s32 @!p0 $0x0, s1;
	[sflag:s0] =	ssyncset.done @!p0 $0x0  }
0x5a: {  	[sflag:s0] =	ssyncadd.s32 @!p0 s1  }
0x5b: {  	[bflag:$0x3] =	sbarrier.arrive $0xFFFF  }
0x5c: {  	_ =	shalt  }

// kernel: sparse-core-data-format-call.10.cloned.1.call-start
scs
called_computation.10_lowered:
.L_overlay_start_0:
0x0: {  	s1 =	sld [smem:$0x3FD9]  }
0x1: {  	s2 =	sld [smem:$0x3FFE];
	_ =	sdelay $0x1  }
0x2: {  	s3 =	srdreg.scid  }
0x3: {  	s0 =	sand.u32 $0x1, s3  }
0x4: {  	s17 =	sshll.u32 s0, $0xA;
	s1 =	sadd.s32 s2, s1  }
0x5: {  	s1 =	sadd.s32 s1, s17  }
0x6: {  	[smem:$0x3FB1] =	sst s1  }
0x7: {  	_ = 	snop  }
0x8: {  	(tm) =	ssettm $0x1  }
0x9: {  	s18 =	sld [smem:$0x3FFB];
	_ =	sdelay $0x3  }
0xa: {  	_ =	strace s18  }
0xb: {  	s1 =	sld [smem:$0x3FFC];
	_ =	sdelay $0x3  }
0xc: {  	_ =	strace s1  }
0xd: {  	s1 =	sld [smem:$0x3FFD];
	_ =	sdelay $0x3  }
0xe: {  	_ =	strace s1  }
0xf: {  	_ =	strace $0x8FFFFFFF  }
0x10: {  	s19 =	sld [smem:$0x3FDB];
	_ =	sdelay $0x1  }
0x11: {  	s20 =	simm.s32 $_scs_section_size  }
0x12: {  	s4 =	simm.s32 $_size__tile_overlayer_lowered;
	s5 =	simm.s32 $_tile_overlayer_lowered  }
0x13: {  	s23 =	simm.s32 $0x1BFF;
	s22 =	sshll.u32 s5, $0x1;
	s1 =	sadd.s32 s20, s19  }
0x14: {  	s6 =	simm.s32 $0x0;
	s21 =	sshll.u32 s4, $0x1;
	s4 =	sadd.s32 s22, s1  }
0x15: {  	[timem:s6], [sflag:s23] =	dma.local [hbm:s4], s21  }
0x16: {  	_ =	swait.ge [sflag:s23], s21  }
0x17: {  	s2 =	ssub.s32 $0x0, s21;
	[sflag:s23] =	ssyncset.done $0x0  }
0x18: {  	[sflag:s23] =	ssyncadd.s32 s2;
	_ =	sdelay $0x1  }
0x19: {  	s24 =	simm.s32 $0x1B8B  }
0x1a: {  	_ =	swait.ge [sflag:s24], $0x1  }
0x1b: {  	[sflag:s24] =	ssyncset.done $0x0  }
0x1c: {  	s26 =	simm.s32 $0x1B8E;
	s25 =	sld [smem:$0x3FFE];
	[sflag:s24] =	ssyncadd.s32 $0xFFFFFFFF  }
0x1d: {  	s27 =	simm.s32 $execute0_lowered;
	[smem:$0x3FD2] =	sst s26  }
0x1e: {  	s4 =	sshll.u32 s27, $0x1;
	_ =	strace $0x8000004C;
	[dreg:$0x1] =	wrdreg $0xFFFFFFFF  }
0x1f: {  	s28 =	simm.s32 $_size_execute0_lowered;
	s1 =	sadd.s32 s1, s4;
	[dreg:$0x0] =	wrdreg $0x0  }
0x20: {  	s4 =	sshll.u32 s28, $0x1;
	[dreg:$0x2] =	wrdreg s1  }
0x21: {  	[dreg:$0x3] =	wrdreg s4  }
0x22: {  	[dreg:$0x4] =	wrdreg $0xC0  }
0x23: {  	_ =	task [dreg:s6], $0x5FFFF  }
0x24: {  	[dreg:$0x1] =	wrdreg $0xFFFFFFFF  }
0x25: {  	[dreg:$0x0] =	wrdreg $0x60  }
0x26: {  	[dreg:$0x2] =	wrdreg s25  }
0x27: {  	[dreg:$0x3] =	wrdreg $0x9  }
0x28: {  	_ =	task.clear_ibuf [dreg:s6], $0x4FFFF;
	_ =	strace $0x9000004C  }
0x29: {  	s29 =	simm.s32 $0x9;
	_ =	strace $0x8000004E  }
0x2a: {  	_ =	swait.ge [sflag:s29], $0x1  }
0x2b: {  	[sflag:s29] =	ssyncadd.s32 $0xFFFFFFFF  }
0x2c: {  	_ =	strace $0x9000004E  }
0x2d: {  	_ =	sfence  }
0x2e: {  	s30 =	sld [smem:$0x0];
	_ =	sdelay $0x2  }
0x2f: {  	s31 =	sshll.u32 s3, $0xD;
	s3 =	sshrl.u32 s3, $0x2  }
0x30: {  	s2 =	sand.u32 $0x4000, s31;
	s1 =	sadd.s32 s3, s30  }
0x31: {  	s0 =	sor.u32 s2, s0;
	s1 =	sshll.u32 s1, $0x11  }
0x32: {  	s0 =	sor.u32 s1, s0  }
0x33: {  	s0 =	sadd.s32 $0x8F2B, s0  }
0x34: {  	[sflag:s0] =	ssyncadd.remote.s32 $0x1  }
0x35: {  	_ =	sfence.sel $0xFFFF  }
0x36: {  	[dreg:$0x0] =	wrdreg $0xFFFFFFFF;
	(pc) =	sbr.abs _section_cstart, $3  }
0x37: {  	[dreg:$0x1] =	wrdreg $0xFFFFFFFF  }
0x38: {  	_ =	task.clear_ibuf [dreg:s6], $0x2FFFF;
	_ =	strace $0x9FFFFFFF  }
0x39: {  	(tm) =	ssettm $0x7FFFFFFF  }
tec
execute0_lowered:
.L_overlay_start_1:
0x0: {  	(tag) =	ssettag $0x1  }
0x1: {  	s0 =	stileid.u32;
	s1 =	srdreg.scid  }
0x2: {  	s4 =	rddreg [dreg:$0x0];
	s7 =	simm.s32 $0x1;
	s31 =	simm.s32 $0x2  }
0x3: {  	s14 =	simm.s32 $0x0;
	s2 =	sshll.u32 s0, $0x5;
	s1 =	sshll.u32 s1, $0x9  }
0x4: {  	s9 =	simm.s32 $0x4000;
	s15 =	simm.s32 $0x0;
	s1 =	sor.u32 s2, s1  }
0x5: {  	s16 =	simm.s32 $0x0;
	s10 =	simm.s32 $0x0;
	s2 =	sand.u32 $0x380, s1  }
0x6: {  	s13 =	simm.s32 $0x0;
	s3 =	sadd.s32 $0x210000, s4;
	s5 =	ssub.s32 $0x800, s2  }
0x7: {  	s4 =	sadd.s32 $0x410000, s4;
	s1 =	rddreg [dreg:$0x1];
	s6 =	sand.u32 $0x380, s5  }
.Ltmp0:
0x8: {  	_ =	strace $0x8000004D;
	p0 =	sne.s32 s6, $0x0;
	(pc) =	sbr.rel .LBB1_1-.Ltmp0, $4  }
0x9: {  	s11 =	smov.u32 s2;
	s8 =	sshrl.u32 s5, $0xA;
	s7 =	simm.s32 @!p0 $0x0  }
0xa: {  	s5 =	sand.u32 $0x3, s0;
	s6 =	simm.s32 $0x1;
	s7 =	sadd.s32 s7, s8  }
0xb: {  	s12 =	smov.u32 s5;
	[sflag:s6] =	ssyncpa.u1 $0x0;
	s7 =	sshll.u32 s7, $0x4  }
0xc: {  	p0 =	por $0x0, $0x0;
	[sflag:s31] =	ssyncpa.u1 $0x0;
	s8 =	sor.u32 $0x1, s7  }
.LBB1_4:
0xd: {  	s19 =	sshll.u32 s15, $0x3  }
0xe: {  	s20 =	sand.u32 $0x78, s15;
	s16 =	sshll.u32 s16, $0x12;
	s30 =	sand.u32 $0x3F00, s15  }
0xf: {  	s14 =	sshll.u32 s14, $0xE;
	s19 =	sand.u32 $0x400, s19;
	s16 =	sadd.s32 s4, s16  }
0x10: {  	[tilespmem:s18+$0x810 ss:$0x81] =	vst.msk $0xffff, v2;
	s31 =	sand.u32 $0x7, s15;
	s19 =	sor.u32 s20, s19;
	s16 =	sadd.s32 s30, s16  }
0x11: {  	[tilespmem:s18+$0x1020 ss:$0x81] =	vst.msk $0xffff, v0;
	s15 =	sshll.u32 s31, $0x12;
	s19 =	sshrl.u32 s19, $0x3;
	s14 =	sadd.s32 s14, s16  }
0x12: {  	[tilespmem:s18+$0x0 ss:$0x81] =	vst.msk $0xffff, v1;
	s15 =	sor.u32 $0x400, s15;
	s14 =	sadd.s32 s19, s14  }
0x13: {  	[hbm4b:s14+s15] =	stream.strided.scatter [tilespmem:s17], [sflag:$0x2], $0x2000, s9, s15, $0x20;
	[tilespmem:$0x8080] =	vst v63  }
.LBB1_5:
0x14: {  	s17 =	sadd.s32 $0x1, s10  }
0x15: {  	s14 =	sadd.s32 $0x400, s11;
	s18 =	smov.u32 s11;
	p2 =	sgt.s32 s17, $0xF  }
0x16: {  	s18 =	smov.u32 @p2 s14  }
0x17: {  	s20 =	smov.u32 s12;
	s14 =	sadd.s32 $0x4, s12;
	p3 =	sgt.s32 s18, $0x7FF  }
0x18: {  	s20 =	smov.u32 @p3 s14  }
0x19: {  	s17 =	simm.s32 @p2 $0x0;
	p2 =	sgt.s32 s20, $0x3  }
0x1a: {  	p1 =	slt.u32 s13, $0x2;
	s20 =	smov.u32 @p2 s5;
	p2 =	sne.s32 s13, s8  }
.Ltmp1:
0x1b: {  	s19 =	simm.s32 @!p1 $0x2;
	(pc) =	sbr.rel @!p2 .LBB1_6-.Ltmp1, $4  }
0x1c: {  	s15 =	smov.u32 s11;
	s16 =	smov.u32 s12;
	_ =	swait.ge @!p1 [sflag:s19], $0x2000  }
0x1d: {  	p0 =	por !p0, !p0;
	[sflag:s19] =	ssyncset.done @!p1 $0x0;
	s18 =	smov.u32 @p3 s2  }
0x1e: {  	s14 =	smov.u32 s10;
	[sflag:s19] =	ssyncadd.s32 @!p1 $0xFFFFE000;
	s10 =	smov.u32 s17  }
0x1f: {  	s11 =	smov.u32 s18;
	s13 =	sadd.s32 $0x1, s13;
	s12 =	smov.u32 s20  }
.LBB1_1:
0x20: {  	p1 =	sge.u32 s13, s7;
	s31 =	sadd.s32 $0xFFFFFFFF, s13  }
0x21: {  	s17 =	sxor.u32 @!p1 $0xFFFFFFFF, s13;
	s18 =	sshll.u32 @!p1 s12, $0x13;
	s19 =	sshll.u32 @!p1 s11, $0x8  }
0x22: {  	s20 =	sshll.u32 @!p1 s10, $0x4;
	s17 =	sshll.u32 @!p1 s17, $0xD;
	s18 =	sadd.s32 @!p1 s3, s18  }
0x23: {  	s20 =	sand.u32 @!p1 $0xF0, s20;
	s17 =	sand.u32 @!p1 $0x2000, s17;
	s18 =	sadd.s32 @!p1 s19, s18  }
0x24: {  	s19 =	simm.s32 @!p1 $0x40;
	s18 =	sadd.s32 @!p1 s20, s18;
	s20 =	simm.s32 @!p1 $0x800  }
0x25: {  	[tilespmem:s17], [sflag:$0x1] =	stream.strided.gather @!p1 [hbm4b:s18+s19], $0x2000, s20, s19, $0x38;
	[tilespmem:$0x8080] =	vst v63  }
0x26: {  	p1 =	sge.u32 s31, s7  }
.Ltmp2:
0x27: {  	_ = 	snop;
	(pc) =	sbr.rel @p1 .LBB1_5-.Ltmp2, $1  }
0x28: {  	_ =	sdelay $0x3  }
0x29: {  	s17 =	simm.s32 $0x1  }
0x2a: {  	_ =	swait.ge [sflag:s6], $0x2000;
	s17 =	simm.s32 @!p0 $0x0  }
0x2b: {  	[sflag:s6] =	ssyncset.done $0x0;
	s18 =	sshll.u32 s17, $0xD  }
0x2c: {  	[sflag:s6] =	ssyncadd.s32 $0xFFFFE000;
	s21 =	sor.u32 $0x20, s18  }
0x2d: {  	s17 =	smul.u32 $0x8100, s17;
	v3 =	vld [tilespmem:s21+$0x10]  }
0x2e: {  	s30 =	sand.u32 $0x1, s13;
	v2 =	vld [tilespmem:s21+$0xFFFFFFF0]  }
0x2f: {  	s18 =	smul.u32 $0x8100, s30;
	s17 =	sshrl.u32 s17, $0x2;
	v0 =	vld [tilespmem:s21+$0x0]  }
0x30: {  	v1 =	vld [tilespmem:s21+$0xFFFFFFE0];
	s19 =	sor.u32 $0x4000, s17  }
0x31: {  	s31 =	sshrl.u32 s18, $0x2;
	s18 =	sadd.s32 $0x0, s19  }
0x32: {  	s20 =	simm.s32 $0x4;
	s21 =	sadd.s32 $0x40, s21;
	s17 =	sor.u32 $0x4000, s31;
	[tilespmem:s18+$0x1830 ss:$0x81] =	vst.msk $0xffff, v3  }
.LBB1_3:
0x33: {  	v3 =	vld [tilespmem:s21+$0x10];
	p1 =	sne.s32 s20, $0x1FC;
	[tilespmem:s18+$0x810 ss:$0x81] =	vst.msk $0xffff, v2;
	s22 =	smov.u32 s20;
	s20 =	sadd.s32 $0x4, s20  }
.Ltmp3:
0x34: {  	v2 =	vld [tilespmem:s21+$0xFFFFFFF0];
	[tilespmem:s18+$0x1020 ss:$0x81] =	vst.msk $0xffff, v0;
	(pc) =	sbr.rel @p1 .LBB1_3-.Ltmp3, $4  }
0x35: {  	v0 =	vld [tilespmem:s21+$0x0];
	[tilespmem:s18+$0x0 ss:$0x81] =	vst.msk $0xffff, v1  }
0x36: {  	s18 =	sshra.s32 s22, $0x2;
	v1 =	vld [tilespmem:s21+$0xFFFFFFE0]  }
0x37: {  	s18 =	sadd.s32 s18, s19  }
0x38: {  	s21 =	sadd.s32 $0x40, s21;
	[tilespmem:s18+$0x1830 ss:$0x81] =	vst.msk $0xffff, v3  }
.Ltmp4:
0x39: {  	_ = 	snop;
	(pc) =	sbr.rel .LBB1_4-.Ltmp4, $1  }
0x3a: {  	_ =	sdelay $0x3  }
.LBB1_6:
0x3b: {  	_ =	sfence.sel $0x180000  }
0x3c: {  	s2 =	simm.s32 $0x1;
	[bflag:$0x0] =	sbarrier.arrive $0xFFFF  }
0x3d: {  	s31 =	simm.s32 $0x2;
	[sflag:s2] =	ssyncpa.u1 $0x1  }
0x3e: {  	[sflag:s31] =	ssyncpa.u1 $0x1  }
0x3f: {  	p0 =	sne.s32 s0, $0x0;
	_ =	strace $0x9000004D  }
0x40: {  	s0 =	sadd.s32 @!p0 $0x100000, s1;
	[bflag:$0x2] =	sbarrier.arrive $0xFFFF  }
0x41: {  	[sflag:s0] =	ssyncadd.tile.s32 @!p0 $0x1;
	_ =	shalt  }
.Lfunc_end1:
_tile_overlayer_lowered:
.L_overlay_start_2:
0x42: {  	(tag) =	ssettag $0x2  }
0x43: {  	s0 =	rddreg [dreg:$0x0];
	s2 =	stileid.u32  }
0x44: {  	s1 =	rddreg [dreg:$0x1];
	p0 =	sne.s32 s2, $0x0  }
0x45: {  	s3 =	rddreg [dreg:$0x2];
	[bflag:$0x3] =	sbarrier.arrive $0xFFFF;
	s2 =	simm.s32 @!p0 $0x1C01  }
0x46: {  	[timem:s3], [sflag:s2] =	dma.local @!p0 [hbm:s0], s1  }
0x47: {  	s0 =	simm.s32 @!p0 $0x1  }
0x48: {  	_ =	swait.ge @!p0 [sflag:s0], s1  }
0x49: {  	s1 =	ssub.s32 @!p0 $0x0, s1;
	[sflag:s0] =	ssyncset.done @!p0 $0x0  }
0x4a: {  	[sflag:s0] =	ssyncadd.s32 @!p0 s1  }
0x4b: {  	[bflag:$0x3] =	sbarrier.arrive $0xFFFF  }
0x4c: {  	_ =	shalt  }

// kernel: sparse-core-data-format-call.11.cloned.1.call-start
scs
called_computation.11_lowered:
.L_overlay_start_0:
0x0: {  	s1 =	sld [smem:$0x3FD9]  }
0x1: {  	s2 =	sld [smem:$0x3FFE];
	_ =	sdelay $0x1  }
0x2: {  	s3 =	srdreg.scid  }
0x3: {  	s0 =	sand.u32 $0x1, s3  }
0x4: {  	s17 =	sshll.u32 s0, $0xA;
	s1 =	sadd.s32 s2, s1  }
0x5: {  	s1 =	sadd.s32 s1, s17  }
0x6: {  	[smem:$0x3FB1] =	sst s1  }
0x7: {  	_ = 	snop  }
0x8: {  	(tm) =	ssettm $0x1  }
0x9: {  	s18 =	sld [smem:$0x3FFB];
	_ =	sdelay $0x3  }
0xa: {  	_ =	strace s18  }
0xb: {  	s1 =	sld [smem:$0x3FFC];
	_ =	sdelay $0x3  }
0xc: {  	_ =	strace s1  }
0xd: {  	s1 =	sld [smem:$0x3FFD];
	_ =	sdelay $0x3  }
0xe: {  	_ =	strace s1  }
0xf: {  	_ =	strace $0x8FFFFFFF  }
0x10: {  	s19 =	sld [smem:$0x3FDB];
	_ =	sdelay $0x1  }
0x11: {  	s20 =	simm.s32 $_scs_section_size  }
0x12: {  	s4 =	simm.s32 $_size__tile_overlayer_lowered;
	s5 =	simm.s32 $_tile_overlayer_lowered  }
0x13: {  	s23 =	simm.s32 $0x1BFF;
	s22 =	sshll.u32 s5, $0x1;
	s1 =	sadd.s32 s20, s19  }
0x14: {  	s6 =	simm.s32 $0x0;
	s21 =	sshll.u32 s4, $0x1;
	s4 =	sadd.s32 s22, s1  }
0x15: {  	[timem:s6], [sflag:s23] =	dma.local [hbm:s4], s21  }
0x16: {  	_ =	swait.ge [sflag:s23], s21  }
0x17: {  	s2 =	ssub.s32 $0x0, s21;
	[sflag:s23] =	ssyncset.done $0x0  }
0x18: {  	[sflag:s23] =	ssyncadd.s32 s2;
	_ =	sdelay $0x1  }
0x19: {  	s24 =	simm.s32 $0x1B8B  }
0x1a: {  	_ =	swait.ge [sflag:s24], $0x1  }
0x1b: {  	[sflag:s24] =	ssyncset.done $0x0  }
0x1c: {  	s26 =	simm.s32 $0x1B8E;
	s25 =	sld [smem:$0x3FFE];
	[sflag:s24] =	ssyncadd.s32 $0xFFFFFFFF  }
0x1d: {  	s27 =	simm.s32 $execute0_lowered;
	[smem:$0x3FD2] =	sst s26  }
0x1e: {  	s4 =	sshll.u32 s27, $0x1;
	_ =	strace $0x80000049;
	[dreg:$0x1] =	wrdreg $0xFFFFFFFF  }
0x1f: {  	s28 =	simm.s32 $_size_execute0_lowered;
	s1 =	sadd.s32 s1, s4;
	[dreg:$0x0] =	wrdreg $0x0  }
0x20: {  	s4 =	sshll.u32 s28, $0x1;
	[dreg:$0x2] =	wrdreg s1  }
0x21: {  	[dreg:$0x3] =	wrdreg s4  }
0x22: {  	[dreg:$0x4] =	wrdreg $0xC0  }
0x23: {  	_ =	task [dreg:s6], $0x5FFFF  }
0x24: {  	[dreg:$0x1] =	wrdreg $0xFFFFFFFF  }
0x25: {  	[dreg:$0x0] =	wrdreg $0x60  }
0x26: {  	[dreg:$0x2] =	wrdreg s25  }
0x27: {  	[dreg:$0x3] =	wrdreg $0x9  }
0x28: {  	_ =	task.clear_ibuf [dreg:s6], $0x4FFFF;
	_ =	strace $0x90000049  }
0x29: {  	s29 =	simm.s32 $0x9;
	_ =	strace $0x8000004B  }
0x2a: {  	_ =	swait.ge [sflag:s29], $0x1  }
0x2b: {  	[sflag:s29] =	ssyncadd.s32 $0xFFFFFFFF  }
0x2c: {  	_ =	strace $0x9000004B  }
0x2d: {  	_ =	sfence  }
0x2e: {  	s30 =	sld [smem:$0x0];
	_ =	sdelay $0x2  }
0x2f: {  	s31 =	sshll.u32 s3, $0xD;
	s3 =	sshrl.u32 s3, $0x2  }
0x30: {  	s2 =	sand.u32 $0x4000, s31;
	s1 =	sadd.s32 s3, s30  }
0x31: {  	s0 =	sor.u32 s2, s0;
	s1 =	sshll.u32 s1, $0x11  }
0x32: {  	s0 =	sor.u32 s1, s0  }
0x33: {  	s0 =	sadd.s32 $0x8F2B, s0  }
0x34: {  	[sflag:s0] =	ssyncadd.remote.s32 $0x1  }
0x35: {  	_ =	sfence.sel $0xFFFF  }
0x36: {  	[dreg:$0x0] =	wrdreg $0xFFFFFFFF;
	(pc) =	sbr.abs _section_cstart, $3  }
0x37: {  	[dreg:$0x1] =	wrdreg $0xFFFFFFFF  }
0x38: {  	_ =	task.clear_ibuf [dreg:s6], $0x2FFFF;
	_ =	strace $0x9FFFFFFF  }
0x39: {  	(tm) =	ssettm $0x7FFFFFFF  }
tec
execute0_lowered:
.L_overlay_start_1:
0x0: {  	(tag) =	ssettag $0x1  }
0x1: {  	s0 =	stileid.u32;
	s1 =	srdreg.scid  }
0x2: {  	s4 =	rddreg [dreg:$0x0];
	s7 =	simm.s32 $0x1;
	s31 =	simm.s32 $0x2  }
0x3: {  	s16 =	simm.s32 $0x0;
	s2 =	sshll.u32 s0, $0x5;
	s1 =	sshll.u32 s1, $0x9  }
0x4: {  	s9 =	simm.s32 $0x4000;
	s14 =	simm.s32 $0x0;
	s1 =	sor.u32 s2, s1  }
0x5: {  	s15 =	simm.s32 $0x0;
	s10 =	simm.s32 $0x0;
	s2 =	sand.u32 $0x380, s1  }
0x6: {  	s13 =	simm.s32 $0x0;
	s3 =	sadd.s32 $0x210000, s4;
	s5 =	ssub.s32 $0x800, s2  }
0x7: {  	s4 =	sadd.s32 $0x410000, s4;
	s1 =	rddreg [dreg:$0x1];
	s6 =	sand.u32 $0x380, s5  }
.Ltmp0:
0x8: {  	_ =	strace $0x8000004A;
	p0 =	sne.s32 s6, $0x0;
	(pc) =	sbr.rel .LBB1_1-.Ltmp0, $4  }
0x9: {  	s11 =	smov.u32 s2;
	s8 =	sshrl.u32 s5, $0xA;
	s7 =	simm.s32 @!p0 $0x0  }
0xa: {  	s5 =	sand.u32 $0x3, s0;
	s6 =	simm.s32 $0x1;
	s7 =	sadd.s32 s7, s8  }
0xb: {  	s12 =	smov.u32 s5;
	[sflag:s6] =	ssyncpa.u1 $0x0;
	s7 =	sshll.u32 s7, $0x4  }
0xc: {  	p0 =	por $0x0, $0x0;
	[sflag:s31] =	ssyncpa.u1 $0x0;
	s8 =	sor.u32 $0x1, s7  }
.LBB1_4:
0xd: {  	v5 =	vld [tilespmem:s19+$0xFFFFFFD0]  }
0xe: {  	[tilespmem:s20+$0x2040 ss:$0x81] =	vst.msk $0xffff, v1;
	v58 =	vld [tilespmem:s19+$0xFFFFFFE0]  }
0xf: {  	[tilespmem:s20+$0x2850 ss:$0x81] =	vst.msk $0xffff, v2;
	v59 =	vld [tilespmem:s19+$0xFFFFFFF0]  }
0x10: {  	s21 =	sshra.s32 s21, $0x2;
	[tilespmem:s20+$0x3060 ss:$0x81] =	vst.msk $0xffff, v3;
	v60 =	vld [tilespmem:s19+$0x0]  }
0x11: {  	[tilespmem:s20+$0x0 ss:$0x81] =	vst.msk $0xffff, v0;
	v61 =	vld [tilespmem:s19+$0x10];
	s18 =	sadd.s32 s21, s18  }
0x12: {  	s26 =	sshll.u32 s16, $0xB;
	v62 =	vld [tilespmem:s19+$0x20];
	[tilespmem:s18+$0x3870 ss:$0x81] =	vst.msk $0xffff, v4  }
0x13: {  	s27 =	sand.u32 $0x78, s14;
	s22 =	sshll.u32 s14, $0x3;
	v63 =	vld [tilespmem:s19+$0xFFFFFFC0];
	s29 =	sshll.u32 s16, $0x7;
	[tilespmem:s18+$0x810 ss:$0x81] =	vst.msk $0xffff, v5  }
0x14: {  	s15 =	sshll.u32 s15, $0x13;
	s20 =	sand.u32 $0x3FC000, s26;
	s28 =	sand.u32 $0x3FFC00, s22;
	[tilespmem:s18+$0x1020 ss:$0x81] =	vst.msk $0xffff, v58  }
0x15: {  	s31 =	sand.u32 $0x7, s14;
	s22 =	sand.u32 $0x400, s22;
	s19 =	sadd.s32 s28, s20;
	[tilespmem:s18+$0x1830 ss:$0x81] =	vst.msk $0xffff, v59  }
0x16: {  	s16 =	sand.u32 $0x380, s29;
	s30 =	sor.u32 s27, s22;
	s19 =	sshrl.u32 s19, $0x3;
	[tilespmem:s18+$0x2040 ss:$0x81] =	vst.msk $0xffff, v60  }
0x17: {  	s15 =	sadd.s32 s4, s15;
	s16 =	sor.u32 s16, s30;
	s19 =	sand.u32 $0x7FF00, s19;
	[tilespmem:s18+$0x2850 ss:$0x81] =	vst.msk $0xffff, v61  }
0x18: {  	s14 =	sshll.u32 s31, $0x12;
	s16 =	sshrl.u32 s16, $0x3;
	[tilespmem:s18+$0x3060 ss:$0x81] =	vst.msk $0xffff, v62;
	s15 =	sadd.s32 s19, s15  }
0x19: {  	s14 =	sor.u32 $0x400, s14;
	[tilespmem:s18+$0x0 ss:$0x81] =	vst.msk $0xffff, v63;
	s15 =	sadd.s32 s16, s15  }
0x1a: {  	[hbm4b:s15+s14] =	stream.strided.scatter [tilespmem:s17], [sflag:$0x2], $0x4000, s9, s14, $0x20;
	[tilespmem:$0x10100] =	vst v63  }
.LBB1_5:
0x1b: {  	s17 =	sadd.s32 $0x80, s10  }
0x1c: {  	s14 =	sadd.s32 $0x400, s11;
	s18 =	smov.u32 s11;
	p2 =	sgt.s32 s17, $0x7FF  }
0x1d: {  	s18 =	smov.u32 @p2 s14  }
0x1e: {  	s20 =	smov.u32 s12;
	s14 =	sadd.s32 $0x4, s12;
	p3 =	sgt.s32 s18, $0x7FF  }
0x1f: {  	s20 =	smov.u32 @p3 s14  }
0x20: {  	s17 =	simm.s32 @p2 $0x0;
	p2 =	sgt.s32 s20, $0x3  }
0x21: {  	p1 =	slt.u32 s13, $0x2;
	s20 =	smov.u32 @p2 s5;
	p2 =	sne.s32 s13, s8  }
.Ltmp1:
0x22: {  	s19 =	simm.s32 @!p1 $0x2;
	(pc) =	sbr.rel @!p2 .LBB1_6-.Ltmp1, $4  }
0x23: {  	s16 =	smov.u32 s10;
	s15 =	smov.u32 s12;
	_ =	swait.ge @!p1 [sflag:s19], $0x4000  }
0x24: {  	p0 =	por !p0, !p0;
	[sflag:s19] =	ssyncset.done @!p1 $0x0;
	s10 =	smov.u32 s17  }
0x25: {  	s18 =	smov.u32 @p3 s2;
	s14 =	smov.u32 s11;
	[sflag:s19] =	ssyncadd.s32 @!p1 $0xFFFFC000  }
0x26: {  	s11 =	smov.u32 s18;
	s13 =	sadd.s32 $0x1, s13;
	s12 =	smov.u32 s20  }
.LBB1_1:
0x27: {  	p1 =	sge.u32 s13, s7;
	s31 =	sadd.s32 $0xFFFFFFFF, s13  }
0x28: {  	s17 =	sxor.u32 @!p1 $0xFFFFFFFF, s13;
	s18 =	sand.u32 @!p1 $0x78, s10;
	s19 =	sshll.u32 @!p1 s11, $0xB  }
0x29: {  	s20 =	sshll.u32 @!p1 s11, $0x7;
	s21 =	sshll.u32 @!p1 s10, $0x3;
	s17 =	sshll.u32 @!p1 s17, $0xE  }
0x2a: {  	s19 =	sand.u32 @!p1 $0x3FC000, s19;
	s20 =	sand.u32 @!p1 $0x380, s20;
	s17 =	sand.u32 @!p1 $0x4000, s17  }
0x2b: {  	s19 =	sadd.s32 @!p1 s19, s21;
	s21 =	sand.u32 @!p1 $0x400, s21;
	s18 =	sor.u32 @!p1 s20, s18  }
0x2c: {  	s20 =	sshll.u32 @!p1 s12, $0x13;
	s18 =	sor.u32 @!p1 s21, s18;
	s19 =	sshrl.u32 @!p1 s19, $0x3  }
0x2d: {  	s20 =	sadd.s32 @!p1 s3, s20;
	s21 =	sand.u32 @!p1 $0x7, s10;
	s19 =	sand.u32 @!p1 $0x7FF00, s19  }
0x2e: {  	s18 =	sshrl.u32 @!p1 s18, $0x3;
	s19 =	sadd.s32 @!p1 s19, s20;
	s20 =	sshll.u32 @!p1 s21, $0x12  }
0x2f: {  	s18 =	sadd.s32 @!p1 s18, s19;
	s19 =	sor.u32 @!p1 $0x400, s20;
	s20 =	simm.s32 @!p1 $0x4000  }
0x30: {  	[tilespmem:s17], [sflag:$0x1] =	stream.strided.gather @!p1 [hbm4b:s18+s19], $0x4000, s20, s19, $0x38;
	[tilespmem:$0x10100] =	vst v63  }
0x31: {  	p1 =	sge.u32 s31, s7  }
.Ltmp2:
0x32: {  	_ = 	snop;
	(pc) =	sbr.rel @p1 .LBB1_5-.Ltmp2, $1  }
0x33: {  	_ =	sdelay $0x3  }
0x34: {  	s17 =	simm.s32 $0x1  }
0x35: {  	_ =	swait.ge [sflag:s6], $0x4000;
	s17 =	simm.s32 @!p0 $0x0  }
0x36: {  	[sflag:s6] =	ssyncset.done $0x0;
	s18 =	sshll.u32 s17, $0xE  }
0x37: {  	[sflag:s6] =	ssyncadd.s32 $0xFFFFC000;
	s19 =	sor.u32 $0x40, s18  }
0x38: {  	s17 =	smul.u32 $0x10200, s17;
	v0 =	vld [tilespmem:s19+$0x30]  }
0x39: {  	v3 =	vld [tilespmem:s19+$0xFFFFFFD0]  }
0x3a: {  	s17 =	sshrl.u32 s17, $0x2;
	v4 =	vld [tilespmem:s19+$0xFFFFFFE0]  }
0x3b: {  	v5 =	vld [tilespmem:s19+$0xFFFFFFF0];
	s18 =	sor.u32 $0x8000, s17  }
0x3c: {  	s31 =	sand.u32 $0x1, s13;
	v1 =	vld [tilespmem:s19+$0x0];
	s20 =	sadd.s32 $0x0, s18  }
0x3d: {  	v2 =	vld [tilespmem:s19+$0x10];
	s17 =	smul.u32 $0x10200, s31;
	[tilespmem:s20+$0x3870 ss:$0x81] =	vst.msk $0xffff, v0  }
0x3e: {  	[tilespmem:s20+$0x810 ss:$0x81] =	vst.msk $0xffff, v3;
	v3 =	vld [tilespmem:s19+$0x20]  }
0x3f: {  	s17 =	sshrl.u32 s17, $0x2;
	v0 =	vld [tilespmem:s19+$0xFFFFFFC0];
	[tilespmem:s20+$0x1020 ss:$0x81] =	vst.msk $0xffff, v4;
	s19 =	sadd.s32 $0x80, s19  }
0x40: {  	s21 =	simm.s32 $0x4;
	s22 =	simm.s32 $0x8;
	s17 =	sor.u32 $0x8000, s17;
	[tilespmem:s20+$0x1830 ss:$0x81] =	vst.msk $0xffff, v5;
	v4 =	vld [tilespmem:s19+$0x30]  }
.LBB1_3:
0x41: {  	p1 =	sne.s32 s22, $0x1FC;
	v5 =	vld [tilespmem:s19+$0xFFFFFFD0];
	[tilespmem:s20+$0x2040 ss:$0x81] =	vst.msk $0xffff, v1  }
0x42: {  	v6 =	vld [tilespmem:s19+$0xFFFFFFE0];
	[tilespmem:s20+$0x2850 ss:$0x81] =	vst.msk $0xffff, v2  }
0x43: {  	s23 =	sshra.s32 s21, $0x2;
	s21 =	smov.u32 s22;
	v7 =	vld [tilespmem:s19+$0xFFFFFFF0];
	[tilespmem:s20+$0x3060 ss:$0x81] =	vst.msk $0xffff, v3  }
.Ltmp3:
0x44: {  	v1 =	vld [tilespmem:s19+$0x0];
	[tilespmem:s20+$0x0 ss:$0x81] =	vst.msk $0xffff, v0;
	s20 =	sadd.s32 s23, s18;
	(pc) =	sbr.rel @p1 .LBB1_3-.Ltmp3, $4  }
0x45: {  	v2 =	vld [tilespmem:s19+$0x10];
	[tilespmem:s20+$0x3870 ss:$0x81] =	vst.msk $0xffff, v4  }
0x46: {  	[tilespmem:s20+$0x810 ss:$0x81] =	vst.msk $0xffff, v5;
	v3 =	vld [tilespmem:s19+$0x20]  }
0x47: {  	v0 =	vld [tilespmem:s19+$0xFFFFFFC0];
	[tilespmem:s20+$0x1020 ss:$0x81] =	vst.msk $0xffff, v6;
	s19 =	sadd.s32 $0x80, s19  }
0x48: {  	s22 =	sadd.s32 $0x4, s22;
	v4 =	vld [tilespmem:s19+$0x30];
	[tilespmem:s20+$0x1830 ss:$0x81] =	vst.msk $0xffff, v7  }
.Ltmp4:
0x49: {  	_ = 	snop;
	(pc) =	sbr.rel .LBB1_4-.Ltmp4, $1  }
0x4a: {  	_ =	sdelay $0x3  }
.LBB1_6:
0x4b: {  	_ =	sfence.sel $0x180000  }
0x4c: {  	s2 =	simm.s32 $0x1;
	[bflag:$0x0] =	sbarrier.arrive $0xFFFF  }
0x4d: {  	s31 =	simm.s32 $0x2;
	[sflag:s2] =	ssyncpa.u1 $0x1  }
0x4e: {  	[sflag:s31] =	ssyncpa.u1 $0x1  }
0x4f: {  	p0 =	sne.s32 s0, $0x0;
	_ =	strace $0x9000004A  }
0x50: {  	s0 =	sadd.s32 @!p0 $0x100000, s1;
	[bflag:$0x2] =	sbarrier.arrive $0xFFFF  }
0x51: {  	[sflag:s0] =	ssyncadd.tile.s32 @!p0 $0x1;
	_ =	shalt  }
.Lfunc_end1:
_tile_overlayer_lowered:
.L_overlay_start_2:
0x52: {  	(tag) =	ssettag $0x2  }
0x53: {  	s0 =	rddreg [dreg:$0x0];
	s2 =	stileid.u32  }
0x54: {  	s1 =	rddreg [dreg:$0x1];
	p0 =	sne.s32 s2, $0x0  }
0x55: {  	s3 =	rddreg [dreg:$0x2];
	[bflag:$0x3] =	sbarrier.arrive $0xFFFF;
	s2 =	simm.s32 @!p0 $0x1C01  }
0x56: {  	[timem:s3], [sflag:s2] =	dma.local @!p0 [hbm:s0], s1  }
0x57: {  	s0 =	simm.s32 @!p0 $0x1  }
0x58: {  	_ =	swait.ge @!p0 [sflag:s0], s1  }
0x59: {  	s1 =	ssub.s32 @!p0 $0x0, s1;
	[sflag:s0] =	ssyncset.done @!p0 $0x0  }
0x5a: {  	[sflag:s0] =	ssyncadd.s32 @!p0 s1  }
0x5b: {  	[bflag:$0x3] =	sbarrier.arrive $0xFFFF  }
0x5c: {  	_ =	shalt  }

// kernel: sparse-core-data-format-call.12.cloned.1.call-start
scs
called_computation.12_lowered:
.L_overlay_start_0:
0x0: {  	s1 =	sld [smem:$0x3FD9]  }
0x1: {  	s2 =	sld [smem:$0x3FFE];
	_ =	sdelay $0x1  }
0x2: {  	s3 =	srdreg.scid  }
0x3: {  	s0 =	sand.u32 $0x1, s3  }
0x4: {  	s17 =	sshll.u32 s0, $0xA;
	s1 =	sadd.s32 s2, s1  }
0x5: {  	s1 =	sadd.s32 s1, s17  }
0x6: {  	[smem:$0x3FB1] =	sst s1  }
0x7: {  	_ = 	snop  }
0x8: {  	(tm) =	ssettm $0x1  }
0x9: {  	s18 =	sld [smem:$0x3FFB];
	_ =	sdelay $0x3  }
0xa: {  	_ =	strace s18  }
0xb: {  	s1 =	sld [smem:$0x3FFC];
	_ =	sdelay $0x3  }
0xc: {  	_ =	strace s1  }
0xd: {  	s1 =	sld [smem:$0x3FFD];
	_ =	sdelay $0x3  }
0xe: {  	_ =	strace s1  }
0xf: {  	_ =	strace $0x8FFFFFFF  }
0x10: {  	s19 =	sld [smem:$0x3FDB];
	_ =	sdelay $0x1  }
0x11: {  	s20 =	simm.s32 $_scs_section_size  }
0x12: {  	s4 =	simm.s32 $_size__tile_overlayer_lowered;
	s5 =	simm.s32 $_tile_overlayer_lowered  }
0x13: {  	s23 =	simm.s32 $0x1BFF;
	s22 =	sshll.u32 s5, $0x1;
	s1 =	sadd.s32 s20, s19  }
0x14: {  	s6 =	simm.s32 $0x0;
	s21 =	sshll.u32 s4, $0x1;
	s4 =	sadd.s32 s22, s1  }
0x15: {  	[timem:s6], [sflag:s23] =	dma.local [hbm:s4], s21  }
0x16: {  	_ =	swait.ge [sflag:s23], s21  }
0x17: {  	s2 =	ssub.s32 $0x0, s21;
	[sflag:s23] =	ssyncset.done $0x0  }
0x18: {  	[sflag:s23] =	ssyncadd.s32 s2;
	_ =	sdelay $0x1  }
0x19: {  	s24 =	simm.s32 $0x1B8B  }
0x1a: {  	_ =	swait.ge [sflag:s24], $0x1  }
0x1b: {  	[sflag:s24] =	ssyncset.done $0x0  }
0x1c: {  	s26 =	simm.s32 $0x1B8E;
	s25 =	sld [smem:$0x3FFE];
	[sflag:s24] =	ssyncadd.s32 $0xFFFFFFFF  }
0x1d: {  	s27 =	simm.s32 $execute0_lowered;
	[smem:$0x3FD2] =	sst s26  }
0x1e: {  	s4 =	sshll.u32 s27, $0x1;
	_ =	strace $0x80000046;
	[dreg:$0x1] =	wrdreg $0xFFFFFFFF  }
0x1f: {  	s28 =	simm.s32 $_size_execute0_lowered;
	s1 =	sadd.s32 s1, s4;
	[dreg:$0x0] =	wrdreg $0x0  }
0x20: {  	s4 =	sshll.u32 s28, $0x1;
	[dreg:$0x2] =	wrdreg s1  }
0x21: {  	[dreg:$0x3] =	wrdreg s4  }
0x22: {  	[dreg:$0x4] =	wrdreg $0xC0  }
0x23: {  	_ =	task [dreg:s6], $0x5FFFF  }
0x24: {  	[dreg:$0x1] =	wrdreg $0xFFFFFFFF  }
0x25: {  	[dreg:$0x0] =	wrdreg $0x60  }
0x26: {  	[dreg:$0x2] =	wrdreg s25  }
0x27: {  	[dreg:$0x3] =	wrdreg $0x9  }
0x28: {  	_ =	task.clear_ibuf [dreg:s6], $0x4FFFF;
	_ =	strace $0x90000046  }
0x29: {  	s29 =	simm.s32 $0x9;
	_ =	strace $0x80000048  }
0x2a: {  	_ =	swait.ge [sflag:s29], $0x1  }
0x2b: {  	[sflag:s29] =	ssyncadd.s32 $0xFFFFFFFF  }
0x2c: {  	_ =	strace $0x90000048  }
0x2d: {  	_ =	sfence  }
0x2e: {  	s30 =	sld [smem:$0x0];
	_ =	sdelay $0x2  }
0x2f: {  	s31 =	sshll.u32 s3, $0xD;
	s3 =	sshrl.u32 s3, $0x2  }
0x30: {  	s2 =	sand.u32 $0x4000, s31;
	s1 =	sadd.s32 s3, s30  }
0x31: {  	s0 =	sor.u32 s2, s0;
	s1 =	sshll.u32 s1, $0x11  }
0x32: {  	s0 =	sor.u32 s1, s0  }
0x33: {  	s0 =	sadd.s32 $0x8F2B, s0  }
0x34: {  	[sflag:s0] =	ssyncadd.remote.s32 $0x1  }
0x35: {  	_ =	sfence.sel $0xFFFF  }
0x36: {  	[dreg:$0x0] =	wrdreg $0xFFFFFFFF;
	(pc) =	sbr.abs _section_cstart, $3  }
0x37: {  	[dreg:$0x1] =	wrdreg $0xFFFFFFFF  }
0x38: {  	_ =	task.clear_ibuf [dreg:s6], $0x2FFFF;
	_ =	strace $0x9FFFFFFF  }
0x39: {  	(tm) =	ssettm $0x7FFFFFFF  }
tec
execute0_lowered:
.L_overlay_start_1:
0x0: {  	(tag) =	ssettag $0x1  }
0x1: {  	s0 =	stileid.u32  }
0x2: {  	s1 =	srdreg.scid;
	s3 =	rddreg [dreg:$0x0];
	s7 =	simm.s32 $0x1  }
0x3: {  	s6 =	simm.s32 $0x1;
	s2 =	sshll.u32 s0, $0x5;
	s1 =	sshll.u32 s1, $0x9  }
0x4: {  	s31 =	simm.s32 $0x2;
	s16 =	simm.s32 $0x0;
	s1 =	sor.u32 s2, s1  }
0x5: {  	s9 =	simm.s32 $0x4000;
	s14 =	simm.s32 $0x0;
	s2 =	sand.u32 $0x380, s1  }
0x6: {  	s15 =	simm.s32 $0x0;
	s10 =	simm.s32 $0x0;
	s5 =	ssub.s32 $0x800, s2  }
0x7: {  	s13 =	simm.s32 $0x0;
	s1 =	rddreg [dreg:$0x1];
	s4 =	sand.u32 $0x380, s5  }
.Ltmp0:
0x8: {  	_ =	strace $0x80000047;
	p0 =	sne.s32 s4, $0x0;
	(pc) =	sbr.rel .LBB1_1-.Ltmp0, $4  }
0x9: {  	[sflag:s6] =	ssyncpa.u1 $0x0;
	s8 =	sshrl.u32 s5, $0xA;
	s7 =	simm.s32 @!p0 $0x0  }
0xa: {  	s11 =	smov.u32 s2;
	s5 =	sand.u32 $0x3, s0;
	s7 =	sadd.s32 s7, s8  }
0xb: {  	[sflag:s31] =	ssyncpa.u1 $0x0;
	s4 =	sadd.s32 $0x200000, s3;
	s7 =	sshll.u32 s7, $0x4  }
0xc: {  	s12 =	smov.u32 s5;
	p0 =	por $0x0, $0x0;
	s8 =	sor.u32 $0x1, s7  }
.LBB1_4:
0xd: {  	v5 =	vld [tilespmem:s19+$0xFFFFFFD0]  }
0xe: {  	[tilespmem:s20+$0x2040 ss:$0x81] =	vst.msk $0xffff, v1;
	v58 =	vld [tilespmem:s19+$0xFFFFFFE0]  }
0xf: {  	[tilespmem:s20+$0x2850 ss:$0x81] =	vst.msk $0xffff, v2;
	v59 =	vld [tilespmem:s19+$0xFFFFFFF0]  }
0x10: {  	s21 =	sshra.s32 s21, $0x2;
	[tilespmem:s20+$0x3060 ss:$0x81] =	vst.msk $0xffff, v3;
	v60 =	vld [tilespmem:s19+$0x0]  }
0x11: {  	[tilespmem:s20+$0x0 ss:$0x81] =	vst.msk $0xffff, v0;
	v61 =	vld [tilespmem:s19+$0x10];
	s18 =	sadd.s32 s21, s18  }
0x12: {  	s26 =	sshll.u32 s16, $0xB;
	v62 =	vld [tilespmem:s19+$0x20];
	[tilespmem:s18+$0x3870 ss:$0x81] =	vst.msk $0xffff, v4  }
0x13: {  	s27 =	sand.u32 $0x78, s14;
	s22 =	sshll.u32 s14, $0x3;
	v63 =	vld [tilespmem:s19+$0xFFFFFFC0];
	s29 =	sshll.u32 s16, $0x7;
	[tilespmem:s18+$0x810 ss:$0x81] =	vst.msk $0xffff, v5  }
0x14: {  	s15 =	sshll.u32 s15, $0x13;
	s20 =	sand.u32 $0x3FC000, s26;
	s28 =	sand.u32 $0x3FFC00, s22;
	[tilespmem:s18+$0x1020 ss:$0x81] =	vst.msk $0xffff, v58  }
0x15: {  	s31 =	sand.u32 $0x7, s14;
	s22 =	sand.u32 $0x400, s22;
	s19 =	sadd.s32 s28, s20;
	[tilespmem:s18+$0x1830 ss:$0x81] =	vst.msk $0xffff, v59  }
0x16: {  	s16 =	sand.u32 $0x380, s29;
	s30 =	sor.u32 s27, s22;
	s19 =	sshrl.u32 s19, $0x3;
	[tilespmem:s18+$0x2040 ss:$0x81] =	vst.msk $0xffff, v60  }
0x17: {  	s15 =	sadd.s32 s4, s15;
	s16 =	sor.u32 s16, s30;
	s19 =	sand.u32 $0x7FF00, s19;
	[tilespmem:s18+$0x2850 ss:$0x81] =	vst.msk $0xffff, v61  }
0x18: {  	s14 =	sshll.u32 s31, $0x12;
	s16 =	sshrl.u32 s16, $0x3;
	[tilespmem:s18+$0x3060 ss:$0x81] =	vst.msk $0xffff, v62;
	s15 =	sadd.s32 s19, s15  }
0x19: {  	s14 =	sor.u32 $0x400, s14;
	[tilespmem:s18+$0x0 ss:$0x81] =	vst.msk $0xffff, v63;
	s15 =	sadd.s32 s16, s15  }
0x1a: {  	[hbm4b:s15+s14] =	stream.strided.scatter [tilespmem:s17], [sflag:$0x2], $0x4000, s9, s14, $0x20;
	[tilespmem:$0x10100] =	vst v63  }
.LBB1_5:
0x1b: {  	s17 =	sadd.s32 $0x80, s10  }
0x1c: {  	s14 =	sadd.s32 $0x400, s11;
	s18 =	smov.u32 s11;
	p2 =	sgt.s32 s17, $0x7FF  }
0x1d: {  	s18 =	smov.u32 @p2 s14  }
0x1e: {  	s20 =	smov.u32 s12;
	s14 =	sadd.s32 $0x4, s12;
	p3 =	sgt.s32 s18, $0x7FF  }
0x1f: {  	s20 =	smov.u32 @p3 s14  }
0x20: {  	s17 =	simm.s32 @p2 $0x0;
	p2 =	sgt.s32 s20, $0x3  }
0x21: {  	p1 =	slt.u32 s13, $0x2;
	s20 =	smov.u32 @p2 s5;
	p2 =	sne.s32 s13, s8  }
.Ltmp1:
0x22: {  	s19 =	simm.s32 @!p1 $0x2;
	(pc) =	sbr.rel @!p2 .LBB1_6-.Ltmp1, $4  }
0x23: {  	s16 =	smov.u32 s10;
	s15 =	smov.u32 s12;
	_ =	swait.ge @!p1 [sflag:s19], $0x4000  }
0x24: {  	p0 =	por !p0, !p0;
	[sflag:s19] =	ssyncset.done @!p1 $0x0;
	s10 =	smov.u32 s17  }
0x25: {  	s18 =	smov.u32 @p3 s2;
	s14 =	smov.u32 s11;
	[sflag:s19] =	ssyncadd.s32 @!p1 $0xFFFFC000  }
0x26: {  	s11 =	smov.u32 s18;
	s13 =	sadd.s32 $0x1, s13;
	s12 =	smov.u32 s20  }
.LBB1_1:
0x27: {  	p1 =	sge.u32 s13, s7;
	s31 =	sadd.s32 $0xFFFFFFFF, s13  }
0x28: {  	s17 =	sxor.u32 @!p1 $0xFFFFFFFF, s13;
	s18 =	sand.u32 @!p1 $0x78, s10;
	s19 =	sshll.u32 @!p1 s11, $0xB  }
0x29: {  	s20 =	sshll.u32 @!p1 s11, $0x7;
	s21 =	sshll.u32 @!p1 s10, $0x3;
	s17 =	sshll.u32 @!p1 s17, $0xE  }
0x2a: {  	s19 =	sand.u32 @!p1 $0x3FC000, s19;
	s20 =	sand.u32 @!p1 $0x380, s20;
	s17 =	sand.u32 @!p1 $0x4000, s17  }
0x2b: {  	s19 =	sadd.s32 @!p1 s19, s21;
	s21 =	sand.u32 @!p1 $0x400, s21;
	s18 =	sor.u32 @!p1 s20, s18  }
0x2c: {  	s20 =	sshll.u32 @!p1 s12, $0x13;
	s18 =	sor.u32 @!p1 s21, s18;
	s19 =	sshrl.u32 @!p1 s19, $0x3  }
0x2d: {  	s20 =	sadd.s32 @!p1 s3, s20;
	s21 =	sand.u32 @!p1 $0x7, s10;
	s19 =	sand.u32 @!p1 $0x7FF00, s19  }
0x2e: {  	s18 =	sshrl.u32 @!p1 s18, $0x3;
	s19 =	sadd.s32 @!p1 s19, s20;
	s20 =	sshll.u32 @!p1 s21, $0x12  }
0x2f: {  	s18 =	sadd.s32 @!p1 s18, s19;
	s19 =	sor.u32 @!p1 $0x400, s20;
	s20 =	simm.s32 @!p1 $0x4000  }
0x30: {  	[tilespmem:s17], [sflag:$0x1] =	stream.strided.gather @!p1 [hbm4b:s18+s19], $0x4000, s20, s19, $0x38;
	[tilespmem:$0x10100] =	vst v63  }
0x31: {  	p1 =	sge.u32 s31, s7  }
.Ltmp2:
0x32: {  	_ = 	snop;
	(pc) =	sbr.rel @p1 .LBB1_5-.Ltmp2, $1  }
0x33: {  	_ =	sdelay $0x3  }
0x34: {  	s17 =	simm.s32 $0x1  }
0x35: {  	_ =	swait.ge [sflag:s6], $0x4000;
	s17 =	simm.s32 @!p0 $0x0  }
0x36: {  	[sflag:s6] =	ssyncset.done $0x0;
	s18 =	sshll.u32 s17, $0xE  }
0x37: {  	[sflag:s6] =	ssyncadd.s32 $0xFFFFC000;
	s19 =	sor.u32 $0x40, s18  }
0x38: {  	s17 =	smul.u32 $0x10200, s17;
	v0 =	vld [tilespmem:s19+$0x30]  }
0x39: {  	v3 =	vld [tilespmem:s19+$0xFFFFFFD0]  }
0x3a: {  	s17 =	sshrl.u32 s17, $0x2;
	v4 =	vld [tilespmem:s19+$0xFFFFFFE0]  }
0x3b: {  	v5 =	vld [tilespmem:s19+$0xFFFFFFF0];
	s18 =	sor.u32 $0x8000, s17  }
0x3c: {  	s31 =	sand.u32 $0x1, s13;
	v1 =	vld [tilespmem:s19+$0x0];
	s20 =	sadd.s32 $0x0, s18  }
0x3d: {  	v2 =	vld [tilespmem:s19+$0x10];
	s17 =	smul.u32 $0x10200, s31;
	[tilespmem:s20+$0x3870 ss:$0x81] =	vst.msk $0xffff, v0  }
0x3e: {  	[tilespmem:s20+$0x810 ss:$0x81] =	vst.msk $0xffff, v3;
	v3 =	vld [tilespmem:s19+$0x20]  }
0x3f: {  	s17 =	sshrl.u32 s17, $0x2;
	v0 =	vld [tilespmem:s19+$0xFFFFFFC0];
	[tilespmem:s20+$0x1020 ss:$0x81] =	vst.msk $0xffff, v4;
	s19 =	sadd.s32 $0x80, s19  }
0x40: {  	s21 =	simm.s32 $0x4;
	s22 =	simm.s32 $0x8;
	s17 =	sor.u32 $0x8000, s17;
	[tilespmem:s20+$0x1830 ss:$0x81] =	vst.msk $0xffff, v5;
	v4 =	vld [tilespmem:s19+$0x30]  }
.LBB1_3:
0x41: {  	p1 =	sne.s32 s22, $0x1FC;
	v5 =	vld [tilespmem:s19+$0xFFFFFFD0];
	[tilespmem:s20+$0x2040 ss:$0x81] =	vst.msk $0xffff, v1  }
0x42: {  	v6 =	vld [tilespmem:s19+$0xFFFFFFE0];
	[tilespmem:s20+$0x2850 ss:$0x81] =	vst.msk $0xffff, v2  }
0x43: {  	s23 =	sshra.s32 s21, $0x2;
	s21 =	smov.u32 s22;
	v7 =	vld [tilespmem:s19+$0xFFFFFFF0];
	[tilespmem:s20+$0x3060 ss:$0x81] =	vst.msk $0xffff, v3  }
.Ltmp3:
0x44: {  	v1 =	vld [tilespmem:s19+$0x0];
	[tilespmem:s20+$0x0 ss:$0x81] =	vst.msk $0xffff, v0;
	s20 =	sadd.s32 s23, s18;
	(pc) =	sbr.rel @p1 .LBB1_3-.Ltmp3, $4  }
0x45: {  	v2 =	vld [tilespmem:s19+$0x10];
	[tilespmem:s20+$0x3870 ss:$0x81] =	vst.msk $0xffff, v4  }
0x46: {  	[tilespmem:s20+$0x810 ss:$0x81] =	vst.msk $0xffff, v5;
	v3 =	vld [tilespmem:s19+$0x20]  }
0x47: {  	v0 =	vld [tilespmem:s19+$0xFFFFFFC0];
	[tilespmem:s20+$0x1020 ss:$0x81] =	vst.msk $0xffff, v6;
	s19 =	sadd.s32 $0x80, s19  }
0x48: {  	s22 =	sadd.s32 $0x4, s22;
	v4 =	vld [tilespmem:s19+$0x30];
	[tilespmem:s20+$0x1830 ss:$0x81] =	vst.msk $0xffff, v7  }
.Ltmp4:
0x49: {  	_ = 	snop;
	(pc) =	sbr.rel .LBB1_4-.Ltmp4, $1  }
0x4a: {  	_ =	sdelay $0x3  }
.LBB1_6:
0x4b: {  	_ =	sfence.sel $0x180000  }
0x4c: {  	s2 =	simm.s32 $0x1;
	[bflag:$0x0] =	sbarrier.arrive $0xFFFF  }
0x4d: {  	s31 =	simm.s32 $0x2;
	[sflag:s2] =	ssyncpa.u1 $0x1  }
0x4e: {  	[sflag:s31] =	ssyncpa.u1 $0x1  }
0x4f: {  	p0 =	sne.s32 s0, $0x0;
	_ =	strace $0x90000047  }
0x50: {  	s0 =	sadd.s32 @!p0 $0x100000, s1;
	[bflag:$0x2] =	sbarrier.arrive $0xFFFF  }
0x51: {  	[sflag:s0] =	ssyncadd.tile.s32 @!p0 $0x1;
	_ =	shalt  }
.Lfunc_end1:
_tile_overlayer_lowered:
.L_overlay_start_2:
0x52: {  	(tag) =	ssettag $0x2  }
0x53: {  	s0 =	rddreg [dreg:$0x0];
	s2 =	stileid.u32  }
0x54: {  	s1 =	rddreg [dreg:$0x1];
	p0 =	sne.s32 s2, $0x0  }
0x55: {  	s3 =	rddreg [dreg:$0x2];
	[bflag:$0x3] =	sbarrier.arrive $0xFFFF;
	s2 =	simm.s32 @!p0 $0x1C01  }
0x56: {  	[timem:s3], [sflag:s2] =	dma.local @!p0 [hbm:s0], s1  }
0x57: {  	s0 =	simm.s32 @!p0 $0x1  }
0x58: {  	_ =	swait.ge @!p0 [sflag:s0], s1  }
0x59: {  	s1 =	ssub.s32 @!p0 $0x0, s1;
	[sflag:s0] =	ssyncset.done @!p0 $0x0  }
0x5a: {  	[sflag:s0] =	ssyncadd.s32 @!p0 s1  }
0x5b: {  	[bflag:$0x3] =	sbarrier.arrive $0xFFFF  }
0x5c: {  	_ =	shalt  }

// kernel: sparse-core-data-format-call.2.cloned.1.call-start
scs
called_computation.2_lowered:
.L_overlay_start_0:
0x0: {  	s1 =	sld [smem:$0x3FD9]  }
0x1: {  	s2 =	sld [smem:$0x3FFE];
	_ =	sdelay $0x1  }
0x2: {  	s3 =	srdreg.scid  }
0x3: {  	s0 =	sand.u32 $0x1, s3  }
0x4: {  	s17 =	sshll.u32 s0, $0xA;
	s1 =	sadd.s32 s2, s1  }
0x5: {  	s1 =	sadd.s32 s1, s17  }
0x6: {  	[smem:$0x3FB1] =	sst s1  }
0x7: {  	_ = 	snop  }
0x8: {  	(tm) =	ssettm $0x1  }
0x9: {  	s18 =	sld [smem:$0x3FFB];
	_ =	sdelay $0x3  }
0xa: {  	_ =	strace s18  }
0xb: {  	s1 =	sld [smem:$0x3FFC];
	_ =	sdelay $0x3  }
0xc: {  	_ =	strace s1  }
0xd: {  	s1 =	sld [smem:$0x3FFD];
	_ =	sdelay $0x3  }
0xe: {  	_ =	strace s1  }
0xf: {  	_ =	strace $0x8FFFFFFF  }
0x10: {  	s19 =	sld [smem:$0x3FDB];
	_ =	sdelay $0x1  }
0x11: {  	s20 =	simm.s32 $_scs_section_size  }
0x12: {  	s4 =	simm.s32 $_size__tile_overlayer_lowered;
	s5 =	simm.s32 $_tile_overlayer_lowered  }
0x13: {  	s23 =	simm.s32 $0x1BFF;
	s22 =	sshll.u32 s5, $0x1;
	s1 =	sadd.s32 s20, s19  }
0x14: {  	s6 =	simm.s32 $0x0;
	s21 =	sshll.u32 s4, $0x1;
	s4 =	sadd.s32 s22, s1  }
0x15: {  	[timem:s6], [sflag:s23] =	dma.local [hbm:s4], s21  }
0x16: {  	_ =	swait.ge [sflag:s23], s21  }
0x17: {  	s2 =	ssub.s32 $0x0, s21;
	[sflag:s23] =	ssyncset.done $0x0  }
0x18: {  	[sflag:s23] =	ssyncadd.s32 s2;
	_ =	sdelay $0x1  }
0x19: {  	s24 =	simm.s32 $0x1B8B  }
0x1a: {  	_ =	swait.ge [sflag:s24], $0x1  }
0x1b: {  	[sflag:s24] =	ssyncset.done $0x0  }
0x1c: {  	s26 =	simm.s32 $0x1B8E;
	s25 =	sld [smem:$0x3FFE];
	[sflag:s24] =	ssyncadd.s32 $0xFFFFFFFF  }
0x1d: {  	s27 =	simm.s32 $execute0_lowered;
	[smem:$0x3FD2] =	sst s26  }
0x1e: {  	s4 =	sshll.u32 s27, $0x1;
	_ =	strace $0x80000064;
	[dreg:$0x1] =	wrdreg $0xFFFFFFFF  }
0x1f: {  	s28 =	simm.s32 $_size_execute0_lowered;
	s1 =	sadd.s32 s1, s4;
	[dreg:$0x0] =	wrdreg $0x0  }
0x20: {  	s4 =	sshll.u32 s28, $0x1;
	[dreg:$0x2] =	wrdreg s1  }
0x21: {  	[dreg:$0x3] =	wrdreg s4  }
0x22: {  	[dreg:$0x4] =	wrdreg $0xC0  }
0x23: {  	_ =	task [dreg:s6], $0x5FFFF  }
0x24: {  	[dreg:$0x1] =	wrdreg $0xFFFFFFFF  }
0x25: {  	[dreg:$0x0] =	wrdreg $0x60  }
0x26: {  	[dreg:$0x2] =	wrdreg s25  }
0x27: {  	[dreg:$0x3] =	wrdreg $0x9  }
0x28: {  	_ =	task.clear_ibuf [dreg:s6], $0x4FFFF;
	_ =	strace $0x90000064  }
0x29: {  	s29 =	simm.s32 $0x9;
	_ =	strace $0x80000066  }
0x2a: {  	_ =	swait.ge [sflag:s29], $0x1  }
0x2b: {  	[sflag:s29] =	ssyncadd.s32 $0xFFFFFFFF  }
0x2c: {  	_ =	strace $0x90000066  }
0x2d: {  	_ =	sfence  }
0x2e: {  	s30 =	sld [smem:$0x0];
	_ =	sdelay $0x2  }
0x2f: {  	s31 =	sshll.u32 s3, $0xD;
	s3 =	sshrl.u32 s3, $0x2  }
0x30: {  	s2 =	sand.u32 $0x4000, s31;
	s1 =	sadd.s32 s3, s30  }
0x31: {  	s0 =	sor.u32 s2, s0;
	s1 =	sshll.u32 s1, $0x11  }
0x32: {  	s0 =	sor.u32 s1, s0  }
0x33: {  	s0 =	sadd.s32 $0x8F2B, s0  }
0x34: {  	[sflag:s0] =	ssyncadd.remote.s32 $0x1  }
0x35: {  	_ =	sfence.sel $0xFFFF  }
0x36: {  	[dreg:$0x0] =	wrdreg $0xFFFFFFFF;
	(pc) =	sbr.abs _section_cstart, $3  }
0x37: {  	[dreg:$0x1] =	wrdreg $0xFFFFFFFF  }
0x38: {  	_ =	task.clear_ibuf [dreg:s6], $0x2FFFF;
	_ =	strace $0x9FFFFFFF  }
0x39: {  	(tm) =	ssettm $0x7FFFFFFF  }
tec
execute0_lowered:
.L_overlay_start_1:
0x0: {  	(tag) =	ssettag $0x1  }
0x1: {  	s0 =	stileid.u32;
	s1 =	srdreg.scid  }
0x2: {  	s4 =	rddreg [dreg:$0x0];
	s7 =	simm.s32 $0x1;
	s31 =	simm.s32 $0x2  }
0x3: {  	s14 =	simm.s32 $0x0;
	s2 =	sshll.u32 s0, $0x5;
	s1 =	sshll.u32 s1, $0x9  }
0x4: {  	s9 =	simm.s32 $0x4000;
	s15 =	simm.s32 $0x0;
	s1 =	sor.u32 s2, s1  }
0x5: {  	s16 =	simm.s32 $0x0;
	s10 =	simm.s32 $0x0;
	s2 =	sand.u32 $0x380, s1  }
0x6: {  	s13 =	simm.s32 $0x0;
	s3 =	sadd.s32 $0x260000, s4;
	s5 =	ssub.s32 $0x800, s2  }
0x7: {  	s4 =	sadd.s32 $0x511C00, s4;
	s1 =	rddreg [dreg:$0x1];
	s6 =	sand.u32 $0x380, s5  }
.Ltmp0:
0x8: {  	_ =	strace $0x80000065;
	p0 =	sne.s32 s6, $0x0;
	(pc) =	sbr.rel .LBB1_1-.Ltmp0, $4  }
0x9: {  	s11 =	smov.u32 s2;
	s8 =	sshrl.u32 s5, $0xA;
	s7 =	simm.s32 @!p0 $0x0  }
0xa: {  	s5 =	sand.u32 $0x3, s0;
	s6 =	simm.s32 $0x1;
	s7 =	sadd.s32 s7, s8  }
0xb: {  	s12 =	smov.u32 s5;
	[sflag:s6] =	ssyncpa.u1 $0x0;
	s7 =	sshll.u32 s7, $0x4  }
0xc: {  	p0 =	por $0x0, $0x0;
	[sflag:s31] =	ssyncpa.u1 $0x0;
	s8 =	sor.u32 $0x1, s7  }
.LBB1_4:
0xd: {  	s19 =	sshll.u32 s15, $0x3  }
0xe: {  	s20 =	sand.u32 $0x78, s15;
	s16 =	sshll.u32 s16, $0x12;
	s30 =	sand.u32 $0x3F00, s15  }
0xf: {  	s14 =	sshll.u32 s14, $0xE;
	s19 =	sand.u32 $0x400, s19;
	s16 =	sadd.s32 s4, s16  }
0x10: {  	[tilespmem:s18+$0x810 ss:$0x81] =	vst.msk $0xffff, v2;
	s31 =	sand.u32 $0x7, s15;
	s19 =	sor.u32 s20, s19;
	s16 =	sadd.s32 s30, s16  }
0x11: {  	[tilespmem:s18+$0x1020 ss:$0x81] =	vst.msk $0xffff, v0;
	s15 =	sshll.u32 s31, $0x12;
	s19 =	sshrl.u32 s19, $0x3;
	s14 =	sadd.s32 s14, s16  }
0x12: {  	[tilespmem:s18+$0x0 ss:$0x81] =	vst.msk $0xffff, v1;
	s15 =	sor.u32 $0x400, s15;
	s14 =	sadd.s32 s19, s14  }
0x13: {  	[hbm4b:s14+s15] =	stream.strided.scatter [tilespmem:s17], [sflag:$0x2], $0x2000, s9, s15, $0x20;
	[tilespmem:$0x8080] =	vst v63  }
.LBB1_5:
0x14: {  	s17 =	sadd.s32 $0x1, s10  }
0x15: {  	s14 =	sadd.s32 $0x400, s11;
	s18 =	smov.u32 s11;
	p2 =	sgt.s32 s17, $0xF  }
0x16: {  	s18 =	smov.u32 @p2 s14  }
0x17: {  	s20 =	smov.u32 s12;
	s14 =	sadd.s32 $0x4, s12;
	p3 =	sgt.s32 s18, $0x7FF  }
0x18: {  	s20 =	smov.u32 @p3 s14  }
0x19: {  	s17 =	simm.s32 @p2 $0x0;
	p2 =	sgt.s32 s20, $0x3  }
0x1a: {  	p1 =	slt.u32 s13, $0x2;
	s20 =	smov.u32 @p2 s5;
	p2 =	sne.s32 s13, s8  }
.Ltmp1:
0x1b: {  	s19 =	simm.s32 @!p1 $0x2;
	(pc) =	sbr.rel @!p2 .LBB1_6-.Ltmp1, $4  }
0x1c: {  	s15 =	smov.u32 s11;
	s16 =	smov.u32 s12;
	_ =	swait.ge @!p1 [sflag:s19], $0x2000  }
0x1d: {  	p0 =	por !p0, !p0;
	[sflag:s19] =	ssyncset.done @!p1 $0x0;
	s18 =	smov.u32 @p3 s2  }
0x1e: {  	s14 =	smov.u32 s10;
	[sflag:s19] =	ssyncadd.s32 @!p1 $0xFFFFE000;
	s10 =	smov.u32 s17  }
0x1f: {  	s11 =	smov.u32 s18;
	s13 =	sadd.s32 $0x1, s13;
	s12 =	smov.u32 s20  }
.LBB1_1:
0x20: {  	p1 =	sge.u32 s13, s7;
	s31 =	sadd.s32 $0xFFFFFFFF, s13  }
0x21: {  	s17 =	sxor.u32 @!p1 $0xFFFFFFFF, s13;
	s18 =	sshll.u32 @!p1 s12, $0x13;
	s19 =	sshll.u32 @!p1 s11, $0x8  }
0x22: {  	s20 =	sshll.u32 @!p1 s10, $0x4;
	s17 =	sshll.u32 @!p1 s17, $0xD;
	s18 =	sadd.s32 @!p1 s3, s18  }
0x23: {  	s20 =	sand.u32 @!p1 $0xF0, s20;
	s17 =	sand.u32 @!p1 $0x2000, s17;
	s18 =	sadd.s32 @!p1 s19, s18  }
0x24: {  	s19 =	simm.s32 @!p1 $0x40;
	s18 =	sadd.s32 @!p1 s20, s18;
	s20 =	simm.s32 @!p1 $0x800  }
0x25: {  	[tilespmem:s17], [sflag:$0x1] =	stream.strided.gather @!p1 [hbm4b:s18+s19], $0x2000, s20, s19, $0x38;
	[tilespmem:$0x8080] =	vst v63  }
0x26: {  	p1 =	sge.u32 s31, s7  }
.Ltmp2:
0x27: {  	_ = 	snop;
	(pc) =	sbr.rel @p1 .LBB1_5-.Ltmp2, $1  }
0x28: {  	_ =	sdelay $0x3  }
0x29: {  	s17 =	simm.s32 $0x1  }
0x2a: {  	_ =	swait.ge [sflag:s6], $0x2000;
	s17 =	simm.s32 @!p0 $0x0  }
0x2b: {  	[sflag:s6] =	ssyncset.done $0x0;
	s18 =	sshll.u32 s17, $0xD  }
0x2c: {  	[sflag:s6] =	ssyncadd.s32 $0xFFFFE000;
	s21 =	sor.u32 $0x20, s18  }
0x2d: {  	s17 =	smul.u32 $0x8100, s17;
	v3 =	vld [tilespmem:s21+$0x10]  }
0x2e: {  	s30 =	sand.u32 $0x1, s13;
	v2 =	vld [tilespmem:s21+$0xFFFFFFF0]  }
0x2f: {  	s18 =	smul.u32 $0x8100, s30;
	s17 =	sshrl.u32 s17, $0x2;
	v0 =	vld [tilespmem:s21+$0x0]  }
0x30: {  	v1 =	vld [tilespmem:s21+$0xFFFFFFE0];
	s19 =	sor.u32 $0x4000, s17  }
0x31: {  	s31 =	sshrl.u32 s18, $0x2;
	s18 =	sadd.s32 $0x0, s19  }
0x32: {  	s20 =	simm.s32 $0x4;
	s21 =	sadd.s32 $0x40, s21;
	s17 =	sor.u32 $0x4000, s31;
	[tilespmem:s18+$0x1830 ss:$0x81] =	vst.msk $0xffff, v3  }
.LBB1_3:
0x33: {  	v3 =	vld [tilespmem:s21+$0x10];
	p1 =	sne.s32 s20, $0x1FC;
	[tilespmem:s18+$0x810 ss:$0x81] =	vst.msk $0xffff, v2;
	s22 =	smov.u32 s20;
	s20 =	sadd.s32 $0x4, s20  }
.Ltmp3:
0x34: {  	v2 =	vld [tilespmem:s21+$0xFFFFFFF0];
	[tilespmem:s18+$0x1020 ss:$0x81] =	vst.msk $0xffff, v0;
	(pc) =	sbr.rel @p1 .LBB1_3-.Ltmp3, $4  }
0x35: {  	v0 =	vld [tilespmem:s21+$0x0];
	[tilespmem:s18+$0x0 ss:$0x81] =	vst.msk $0xffff, v1  }
0x36: {  	s18 =	sshra.s32 s22, $0x2;
	v1 =	vld [tilespmem:s21+$0xFFFFFFE0]  }
0x37: {  	s18 =	sadd.s32 s18, s19  }
0x38: {  	s21 =	sadd.s32 $0x40, s21;
	[tilespmem:s18+$0x1830 ss:$0x81] =	vst.msk $0xffff, v3  }
.Ltmp4:
0x39: {  	_ = 	snop;
	(pc) =	sbr.rel .LBB1_4-.Ltmp4, $1  }
0x3a: {  	_ =	sdelay $0x3  }
.LBB1_6:
0x3b: {  	_ =	sfence.sel $0x180000  }
0x3c: {  	s2 =	simm.s32 $0x1;
	[bflag:$0x0] =	sbarrier.arrive $0xFFFF  }
0x3d: {  	s31 =	simm.s32 $0x2;
	[sflag:s2] =	ssyncpa.u1 $0x1  }
0x3e: {  	[sflag:s31] =	ssyncpa.u1 $0x1  }
0x3f: {  	p0 =	sne.s32 s0, $0x0;
	_ =	strace $0x90000065  }
0x40: {  	s0 =	sadd.s32 @!p0 $0x100000, s1;
	[bflag:$0x2] =	sbarrier.arrive $0xFFFF  }
0x41: {  	[sflag:s0] =	ssyncadd.tile.s32 @!p0 $0x1;
	_ =	shalt  }
.Lfunc_end1:
_tile_overlayer_lowered:
.L_overlay_start_2:
0x42: {  	(tag) =	ssettag $0x2  }
0x43: {  	s0 =	rddreg [dreg:$0x0];
	s2 =	stileid.u32  }
0x44: {  	s1 =	rddreg [dreg:$0x1];
	p0 =	sne.s32 s2, $0x0  }
0x45: {  	s3 =	rddreg [dreg:$0x2];
	[bflag:$0x3] =	sbarrier.arrive $0xFFFF;
	s2 =	simm.s32 @!p0 $0x1C01  }
0x46: {  	[timem:s3], [sflag:s2] =	dma.local @!p0 [hbm:s0], s1  }
0x47: {  	s0 =	simm.s32 @!p0 $0x1  }
0x48: {  	_ =	swait.ge @!p0 [sflag:s0], s1  }
0x49: {  	s1 =	ssub.s32 @!p0 $0x0, s1;
	[sflag:s0] =	ssyncset.done @!p0 $0x0  }
0x4a: {  	[sflag:s0] =	ssyncadd.s32 @!p0 s1  }
0x4b: {  	[bflag:$0x3] =	sbarrier.arrive $0xFFFF  }
0x4c: {  	_ =	shalt  }

// kernel: sparse-core-data-format-call.3.cloned.1.call-start
scs
called_computation.3_lowered:
.L_overlay_start_0:
0x0: {  	s1 =	sld [smem:$0x3FD9]  }
0x1: {  	s2 =	sld [smem:$0x3FFE];
	_ =	sdelay $0x1  }
0x2: {  	s3 =	srdreg.scid  }
0x3: {  	s0 =	sand.u32 $0x1, s3  }
0x4: {  	s17 =	sshll.u32 s0, $0xA;
	s1 =	sadd.s32 s2, s1  }
0x5: {  	s1 =	sadd.s32 s1, s17  }
0x6: {  	[smem:$0x3FB1] =	sst s1  }
0x7: {  	_ = 	snop  }
0x8: {  	(tm) =	ssettm $0x1  }
0x9: {  	s18 =	sld [smem:$0x3FFB];
	_ =	sdelay $0x3  }
0xa: {  	_ =	strace s18  }
0xb: {  	s1 =	sld [smem:$0x3FFC];
	_ =	sdelay $0x3  }
0xc: {  	_ =	strace s1  }
0xd: {  	s1 =	sld [smem:$0x3FFD];
	_ =	sdelay $0x3  }
0xe: {  	_ =	strace s1  }
0xf: {  	_ =	strace $0x8FFFFFFF  }
0x10: {  	s19 =	sld [smem:$0x3FDB];
	_ =	sdelay $0x1  }
0x11: {  	s20 =	simm.s32 $_scs_section_size  }
0x12: {  	s4 =	simm.s32 $_size__tile_overlayer_lowered;
	s5 =	simm.s32 $_tile_overlayer_lowered  }
0x13: {  	s23 =	simm.s32 $0x1BFF;
	s22 =	sshll.u32 s5, $0x1;
	s1 =	sadd.s32 s20, s19  }
0x14: {  	s6 =	simm.s32 $0x0;
	s21 =	sshll.u32 s4, $0x1;
	s4 =	sadd.s32 s22, s1  }
0x15: {  	[timem:s6], [sflag:s23] =	dma.local [hbm:s4], s21  }
0x16: {  	_ =	swait.ge [sflag:s23], s21  }
0x17: {  	s2 =	ssub.s32 $0x0, s21;
	[sflag:s23] =	ssyncset.done $0x0  }
0x18: {  	[sflag:s23] =	ssyncadd.s32 s2;
	_ =	sdelay $0x1  }
0x19: {  	s24 =	simm.s32 $0x1B8B  }
0x1a: {  	_ =	swait.ge [sflag:s24], $0x1  }
0x1b: {  	[sflag:s24] =	ssyncset.done $0x0  }
0x1c: {  	s26 =	simm.s32 $0x1B8E;
	s25 =	sld [smem:$0x3FFE];
	[sflag:s24] =	ssyncadd.s32 $0xFFFFFFFF  }
0x1d: {  	s27 =	simm.s32 $execute0_lowered;
	[smem:$0x3FD2] =	sst s26  }
0x1e: {  	s4 =	sshll.u32 s27, $0x1;
	_ =	strace $0x80000061;
	[dreg:$0x1] =	wrdreg $0xFFFFFFFF  }
0x1f: {  	s28 =	simm.s32 $_size_execute0_lowered;
	s1 =	sadd.s32 s1, s4;
	[dreg:$0x0] =	wrdreg $0x0  }
0x20: {  	s4 =	sshll.u32 s28, $0x1;
	[dreg:$0x2] =	wrdreg s1  }
0x21: {  	[dreg:$0x3] =	wrdreg s4  }
0x22: {  	[dreg:$0x4] =	wrdreg $0xC0  }
0x23: {  	_ =	task [dreg:s6], $0x5FFFF  }
0x24: {  	[dreg:$0x1] =	wrdreg $0xFFFFFFFF  }
0x25: {  	[dreg:$0x0] =	wrdreg $0x60  }
0x26: {  	[dreg:$0x2] =	wrdreg s25  }
0x27: {  	[dreg:$0x3] =	wrdreg $0x9  }
0x28: {  	_ =	task.clear_ibuf [dreg:s6], $0x4FFFF;
	_ =	strace $0x90000061  }
0x29: {  	s29 =	simm.s32 $0x9;
	_ =	strace $0x80000063  }
0x2a: {  	_ =	swait.ge [sflag:s29], $0x1  }
0x2b: {  	[sflag:s29] =	ssyncadd.s32 $0xFFFFFFFF  }
0x2c: {  	_ =	strace $0x90000063  }
0x2d: {  	_ =	sfence  }
0x2e: {  	s30 =	sld [smem:$0x0];
	_ =	sdelay $0x2  }
0x2f: {  	s31 =	sshll.u32 s3, $0xD;
	s3 =	sshrl.u32 s3, $0x2  }
0x30: {  	s2 =	sand.u32 $0x4000, s31;
	s1 =	sadd.s32 s3, s30  }
0x31: {  	s0 =	sor.u32 s2, s0;
	s1 =	sshll.u32 s1, $0x11  }
0x32: {  	s0 =	sor.u32 s1, s0  }
0x33: {  	s0 =	sadd.s32 $0x8F2B, s0  }
0x34: {  	[sflag:s0] =	ssyncadd.remote.s32 $0x1  }
0x35: {  	_ =	sfence.sel $0xFFFF  }
0x36: {  	[dreg:$0x0] =	wrdreg $0xFFFFFFFF;
	(pc) =	sbr.abs _section_cstart, $3  }
0x37: {  	[dreg:$0x1] =	wrdreg $0xFFFFFFFF  }
0x38: {  	_ =	task.clear_ibuf [dreg:s6], $0x2FFFF;
	_ =	strace $0x9FFFFFFF  }
0x39: {  	(tm) =	ssettm $0x7FFFFFFF  }
tec
execute0_lowered:
.L_overlay_start_1:
0x0: {  	(tag) =	ssettag $0x1  }
0x1: {  	s0 =	stileid.u32;
	s1 =	srdreg.scid  }
0x2: {  	s4 =	rddreg [dreg:$0x0];
	s7 =	simm.s32 $0x1;
	s31 =	simm.s32 $0x2  }
0x3: {  	s16 =	simm.s32 $0x0;
	s2 =	sshll.u32 s0, $0x5;
	s1 =	sshll.u32 s1, $0x9  }
0x4: {  	s9 =	simm.s32 $0x4000;
	s14 =	simm.s32 $0x0;
	s1 =	sor.u32 s2, s1  }
0x5: {  	s15 =	simm.s32 $0x0;
	s10 =	simm.s32 $0x0;
	s2 =	sand.u32 $0x380, s1  }
0x6: {  	s13 =	simm.s32 $0x0;
	s3 =	sadd.s32 $0x260000, s4;
	s5 =	ssub.s32 $0x800, s2  }
0x7: {  	s4 =	sadd.s32 $0x511C00, s4;
	s1 =	rddreg [dreg:$0x1];
	s6 =	sand.u32 $0x380, s5  }
.Ltmp0:
0x8: {  	_ =	strace $0x80000062;
	p0 =	sne.s32 s6, $0x0;
	(pc) =	sbr.rel .LBB1_1-.Ltmp0, $4  }
0x9: {  	s11 =	smov.u32 s2;
	s8 =	sshrl.u32 s5, $0xA;
	s7 =	simm.s32 @!p0 $0x0  }
0xa: {  	s5 =	sand.u32 $0x3, s0;
	s6 =	simm.s32 $0x1;
	s7 =	sadd.s32 s7, s8  }
0xb: {  	s12 =	smov.u32 s5;
	[sflag:s6] =	ssyncpa.u1 $0x0;
	s7 =	sshll.u32 s7, $0x4  }
0xc: {  	p0 =	por $0x0, $0x0;
	[sflag:s31] =	ssyncpa.u1 $0x0;
	s8 =	sor.u32 $0x1, s7  }
.LBB1_4:
0xd: {  	v5 =	vld [tilespmem:s19+$0xFFFFFFD0]  }
0xe: {  	[tilespmem:s20+$0x2040 ss:$0x81] =	vst.msk $0xffff, v1;
	v58 =	vld [tilespmem:s19+$0xFFFFFFE0]  }
0xf: {  	[tilespmem:s20+$0x2850 ss:$0x81] =	vst.msk $0xffff, v2;
	v59 =	vld [tilespmem:s19+$0xFFFFFFF0]  }
0x10: {  	s21 =	sshra.s32 s21, $0x2;
	[tilespmem:s20+$0x3060 ss:$0x81] =	vst.msk $0xffff, v3;
	v60 =	vld [tilespmem:s19+$0x0]  }
0x11: {  	[tilespmem:s20+$0x0 ss:$0x81] =	vst.msk $0xffff, v0;
	v61 =	vld [tilespmem:s19+$0x10];
	s18 =	sadd.s32 s21, s18  }
0x12: {  	s26 =	sshll.u32 s16, $0xB;
	v62 =	vld [tilespmem:s19+$0x20];
	[tilespmem:s18+$0x3870 ss:$0x81] =	vst.msk $0xffff, v4  }
0x13: {  	s27 =	sand.u32 $0x78, s14;
	s22 =	sshll.u32 s14, $0x3;
	v63 =	vld [tilespmem:s19+$0xFFFFFFC0];
	s29 =	sshll.u32 s16, $0x7;
	[tilespmem:s18+$0x810 ss:$0x81] =	vst.msk $0xffff, v5  }
0x14: {  	s15 =	sshll.u32 s15, $0x13;
	s20 =	sand.u32 $0x3FC000, s26;
	s28 =	sand.u32 $0x3FFC00, s22;
	[tilespmem:s18+$0x1020 ss:$0x81] =	vst.msk $0xffff, v58  }
0x15: {  	s31 =	sand.u32 $0x7, s14;
	s22 =	sand.u32 $0x400, s22;
	s19 =	sadd.s32 s28, s20;
	[tilespmem:s18+$0x1830 ss:$0x81] =	vst.msk $0xffff, v59  }
0x16: {  	s16 =	sand.u32 $0x380, s29;
	s30 =	sor.u32 s27, s22;
	s19 =	sshrl.u32 s19, $0x3;
	[tilespmem:s18+$0x2040 ss:$0x81] =	vst.msk $0xffff, v60  }
0x17: {  	s15 =	sadd.s32 s4, s15;
	s16 =	sor.u32 s16, s30;
	s19 =	sand.u32 $0x7FF00, s19;
	[tilespmem:s18+$0x2850 ss:$0x81] =	vst.msk $0xffff, v61  }
0x18: {  	s14 =	sshll.u32 s31, $0x12;
	s16 =	sshrl.u32 s16, $0x3;
	[tilespmem:s18+$0x3060 ss:$0x81] =	vst.msk $0xffff, v62;
	s15 =	sadd.s32 s19, s15  }
0x19: {  	s14 =	sor.u32 $0x400, s14;
	[tilespmem:s18+$0x0 ss:$0x81] =	vst.msk $0xffff, v63;
	s15 =	sadd.s32 s16, s15  }
0x1a: {  	[hbm4b:s15+s14] =	stream.strided.scatter [tilespmem:s17], [sflag:$0x2], $0x4000, s9, s14, $0x20;
	[tilespmem:$0x10100] =	vst v63  }
.LBB1_5:
0x1b: {  	s17 =	sadd.s32 $0x80, s10  }
0x1c: {  	s14 =	sadd.s32 $0x400, s11;
	s18 =	smov.u32 s11;
	p2 =	sgt.s32 s17, $0x7FF  }
0x1d: {  	s18 =	smov.u32 @p2 s14  }
0x1e: {  	s20 =	smov.u32 s12;
	s14 =	sadd.s32 $0x4, s12;
	p3 =	sgt.s32 s18, $0x7FF  }
0x1f: {  	s20 =	smov.u32 @p3 s14  }
0x20: {  	s17 =	simm.s32 @p2 $0x0;
	p2 =	sgt.s32 s20, $0x3  }
0x21: {  	p1 =	slt.u32 s13, $0x2;
	s20 =	smov.u32 @p2 s5;
	p2 =	sne.s32 s13, s8  }
.Ltmp1:
0x22: {  	s19 =	simm.s32 @!p1 $0x2;
	(pc) =	sbr.rel @!p2 .LBB1_6-.Ltmp1, $4  }
0x23: {  	s16 =	smov.u32 s10;
	s15 =	smov.u32 s12;
	_ =	swait.ge @!p1 [sflag:s19], $0x4000  }
0x24: {  	p0 =	por !p0, !p0;
	[sflag:s19] =	ssyncset.done @!p1 $0x0;
	s10 =	smov.u32 s17  }
0x25: {  	s18 =	smov.u32 @p3 s2;
	s14 =	smov.u32 s11;
	[sflag:s19] =	ssyncadd.s32 @!p1 $0xFFFFC000  }
0x26: {  	s11 =	smov.u32 s18;
	s13 =	sadd.s32 $0x1, s13;
	s12 =	smov.u32 s20  }
.LBB1_1:
0x27: {  	p1 =	sge.u32 s13, s7;
	s31 =	sadd.s32 $0xFFFFFFFF, s13  }
0x28: {  	s17 =	sxor.u32 @!p1 $0xFFFFFFFF, s13;
	s18 =	sand.u32 @!p1 $0x78, s10;
	s19 =	sshll.u32 @!p1 s11, $0xB  }
0x29: {  	s20 =	sshll.u32 @!p1 s11, $0x7;
	s21 =	sshll.u32 @!p1 s10, $0x3;
	s17 =	sshll.u32 @!p1 s17, $0xE  }
0x2a: {  	s19 =	sand.u32 @!p1 $0x3FC000, s19;
	s20 =	sand.u32 @!p1 $0x380, s20;
	s17 =	sand.u32 @!p1 $0x4000, s17  }
0x2b: {  	s19 =	sadd.s32 @!p1 s19, s21;
	s21 =	sand.u32 @!p1 $0x400, s21;
	s18 =	sor.u32 @!p1 s20, s18  }
0x2c: {  	s20 =	sshll.u32 @!p1 s12, $0x13;
	s18 =	sor.u32 @!p1 s21, s18;
	s19 =	sshrl.u32 @!p1 s19, $0x3  }
0x2d: {  	s20 =	sadd.s32 @!p1 s3, s20;
	s21 =	sand.u32 @!p1 $0x7, s10;
	s19 =	sand.u32 @!p1 $0x7FF00, s19  }
0x2e: {  	s18 =	sshrl.u32 @!p1 s18, $0x3;
	s19 =	sadd.s32 @!p1 s19, s20;
	s20 =	sshll.u32 @!p1 s21, $0x12  }
0x2f: {  	s18 =	sadd.s32 @!p1 s18, s19;
	s19 =	sor.u32 @!p1 $0x400, s20;
	s20 =	simm.s32 @!p1 $0x4000  }
0x30: {  	[tilespmem:s17], [sflag:$0x1] =	stream.strided.gather @!p1 [hbm4b:s18+s19], $0x4000, s20, s19, $0x38;
	[tilespmem:$0x10100] =	vst v63  }
0x31: {  	p1 =	sge.u32 s31, s7  }
.Ltmp2:
0x32: {  	_ = 	snop;
	(pc) =	sbr.rel @p1 .LBB1_5-.Ltmp2, $1  }
0x33: {  	_ =	sdelay $0x3  }
0x34: {  	s17 =	simm.s32 $0x1  }
0x35: {  	_ =	swait.ge [sflag:s6], $0x4000;
	s17 =	simm.s32 @!p0 $0x0  }
0x36: {  	[sflag:s6] =	ssyncset.done $0x0;
	s18 =	sshll.u32 s17, $0xE  }
0x37: {  	[sflag:s6] =	ssyncadd.s32 $0xFFFFC000;
	s19 =	sor.u32 $0x40, s18  }
0x38: {  	s17 =	smul.u32 $0x10200, s17;
	v0 =	vld [tilespmem:s19+$0x30]  }
0x39: {  	v3 =	vld [tilespmem:s19+$0xFFFFFFD0]  }
0x3a: {  	s17 =	sshrl.u32 s17, $0x2;
	v4 =	vld [tilespmem:s19+$0xFFFFFFE0]  }
0x3b: {  	v5 =	vld [tilespmem:s19+$0xFFFFFFF0];
	s18 =	sor.u32 $0x8000, s17  }
0x3c: {  	s31 =	sand.u32 $0x1, s13;
	v1 =	vld [tilespmem:s19+$0x0];
	s20 =	sadd.s32 $0x0, s18  }
0x3d: {  	v2 =	vld [tilespmem:s19+$0x10];
	s17 =	smul.u32 $0x10200, s31;
	[tilespmem:s20+$0x3870 ss:$0x81] =	vst.msk $0xffff, v0  }
0x3e: {  	[tilespmem:s20+$0x810 ss:$0x81] =	vst.msk $0xffff, v3;
	v3 =	vld [tilespmem:s19+$0x20]  }
0x3f: {  	s17 =	sshrl.u32 s17, $0x2;
	v0 =	vld [tilespmem:s19+$0xFFFFFFC0];
	[tilespmem:s20+$0x1020 ss:$0x81] =	vst.msk $0xffff, v4;
	s19 =	sadd.s32 $0x80, s19  }
0x40: {  	s21 =	simm.s32 $0x4;
	s22 =	simm.s32 $0x8;
	s17 =	sor.u32 $0x8000, s17;
	[tilespmem:s20+$0x1830 ss:$0x81] =	vst.msk $0xffff, v5;
	v4 =	vld [tilespmem:s19+$0x30]  }
.LBB1_3:
0x41: {  	p1 =	sne.s32 s22, $0x1FC;
	v5 =	vld [tilespmem:s19+$0xFFFFFFD0];
	[tilespmem:s20+$0x2040 ss:$0x81] =	vst.msk $0xffff, v1  }
0x42: {  	v6 =	vld [tilespmem:s19+$0xFFFFFFE0];
	[tilespmem:s20+$0x2850 ss:$0x81] =	vst.msk $0xffff, v2  }
0x43: {  	s23 =	sshra.s32 s21, $0x2;
	s21 =	smov.u32 s22;
	v7 =	vld [tilespmem:s19+$0xFFFFFFF0];
	[tilespmem:s20+$0x3060 ss:$0x81] =	vst.msk $0xffff, v3  }
.Ltmp3:
0x44: {  	v1 =	vld [tilespmem:s19+$0x0];
	[tilespmem:s20+$0x0 ss:$0x81] =	vst.msk $0xffff, v0;
	s20 =	sadd.s32 s23, s18;
	(pc) =	sbr.rel @p1 .LBB1_3-.Ltmp3, $4  }
0x45: {  	v2 =	vld [tilespmem:s19+$0x10];
	[tilespmem:s20+$0x3870 ss:$0x81] =	vst.msk $0xffff, v4  }
0x46: {  	[tilespmem:s20+$0x810 ss:$0x81] =	vst.msk $0xffff, v5;
	v3 =	vld [tilespmem:s19+$0x20]  }
0x47: {  	v0 =	vld [tilespmem:s19+$0xFFFFFFC0];
	[tilespmem:s20+$0x1020 ss:$0x81] =	vst.msk $0xffff, v6;
	s19 =	sadd.s32 $0x80, s19  }
0x48: {  	s22 =	sadd.s32 $0x4, s22;
	v4 =	vld [tilespmem:s19+$0x30];
	[tilespmem:s20+$0x1830 ss:$0x81] =	vst.msk $0xffff, v7  }
.Ltmp4:
0x49: {  	_ = 	snop;
	(pc) =	sbr.rel .LBB1_4-.Ltmp4, $1  }
0x4a: {  	_ =	sdelay $0x3  }
.LBB1_6:
0x4b: {  	_ =	sfence.sel $0x180000  }
0x4c: {  	s2 =	simm.s32 $0x1;
	[bflag:$0x0] =	sbarrier.arrive $0xFFFF  }
0x4d: {  	s31 =	simm.s32 $0x2;
	[sflag:s2] =	ssyncpa.u1 $0x1  }
0x4e: {  	[sflag:s31] =	ssyncpa.u1 $0x1  }
0x4f: {  	p0 =	sne.s32 s0, $0x0;
	_ =	strace $0x90000062  }
0x50: {  	s0 =	sadd.s32 @!p0 $0x100000, s1;
	[bflag:$0x2] =	sbarrier.arrive $0xFFFF  }
0x51: {  	[sflag:s0] =	ssyncadd.tile.s32 @!p0 $0x1;
	_ =	shalt  }
.Lfunc_end1:
_tile_overlayer_lowered:
.L_overlay_start_2:
0x52: {  	(tag) =	ssettag $0x2  }
0x53: {  	s0 =	rddreg [dreg:$0x0];
	s2 =	stileid.u32  }
0x54: {  	s1 =	rddreg [dreg:$0x1];
	p0 =	sne.s32 s2, $0x0  }
0x55: {  	s3 =	rddreg [dreg:$0x2];
	[bflag:$0x3] =	sbarrier.arrive $0xFFFF;
	s2 =	simm.s32 @!p0 $0x1C01  }
0x56: {  	[timem:s3], [sflag:s2] =	dma.local @!p0 [hbm:s0], s1  }
0x57: {  	s0 =	simm.s32 @!p0 $0x1  }
0x58: {  	_ =	swait.ge @!p0 [sflag:s0], s1  }
0x59: {  	s1 =	ssub.s32 @!p0 $0x0, s1;
	[sflag:s0] =	ssyncset.done @!p0 $0x0  }
0x5a: {  	[sflag:s0] =	ssyncadd.s32 @!p0 s1  }
0x5b: {  	[bflag:$0x3] =	sbarrier.arrive $0xFFFF  }
0x5c: {  	_ =	shalt  }

// kernel: sparse-core-data-format-call.4.cloned.1.call-start
scs
called_computation.4_lowered:
.L_overlay_start_0:
0x0: {  	s1 =	sld [smem:$0x3FD9]  }
0x1: {  	s2 =	sld [smem:$0x3FFE];
	_ =	sdelay $0x1  }
0x2: {  	s3 =	srdreg.scid  }
0x3: {  	s0 =	sand.u32 $0x1, s3  }
0x4: {  	s17 =	sshll.u32 s0, $0xA;
	s1 =	sadd.s32 s2, s1  }
0x5: {  	s1 =	sadd.s32 s1, s17  }
0x6: {  	[smem:$0x3FB1] =	sst s1  }
0x7: {  	_ = 	snop  }
0x8: {  	(tm) =	ssettm $0x1  }
0x9: {  	s18 =	sld [smem:$0x3FFB];
	_ =	sdelay $0x3  }
0xa: {  	_ =	strace s18  }
0xb: {  	s1 =	sld [smem:$0x3FFC];
	_ =	sdelay $0x3  }
0xc: {  	_ =	strace s1  }
0xd: {  	s1 =	sld [smem:$0x3FFD];
	_ =	sdelay $0x3  }
0xe: {  	_ =	strace s1  }
0xf: {  	_ =	strace $0x8FFFFFFF  }
0x10: {  	s19 =	sld [smem:$0x3FDB];
	_ =	sdelay $0x1  }
0x11: {  	s20 =	simm.s32 $_scs_section_size  }
0x12: {  	s4 =	simm.s32 $_size__tile_overlayer_lowered;
	s5 =	simm.s32 $_tile_overlayer_lowered  }
0x13: {  	s23 =	simm.s32 $0x1BFF;
	s22 =	sshll.u32 s5, $0x1;
	s1 =	sadd.s32 s20, s19  }
0x14: {  	s6 =	simm.s32 $0x0;
	s21 =	sshll.u32 s4, $0x1;
	s4 =	sadd.s32 s22, s1  }
0x15: {  	[timem:s6], [sflag:s23] =	dma.local [hbm:s4], s21  }
0x16: {  	_ =	swait.ge [sflag:s23], s21  }
0x17: {  	s2 =	ssub.s32 $0x0, s21;
	[sflag:s23] =	ssyncset.done $0x0  }
0x18: {  	[sflag:s23] =	ssyncadd.s32 s2;
	_ =	sdelay $0x1  }
0x19: {  	s24 =	simm.s32 $0x1B8B  }
0x1a: {  	_ =	swait.ge [sflag:s24], $0x1  }
0x1b: {  	[sflag:s24] =	ssyncset.done $0x0  }
0x1c: {  	s26 =	simm.s32 $0x1B8E;
	s25 =	sld [smem:$0x3FFE];
	[sflag:s24] =	ssyncadd.s32 $0xFFFFFFFF  }
0x1d: {  	s27 =	simm.s32 $execute0_lowered;
	[smem:$0x3FD2] =	sst s26  }
0x1e: {  	s4 =	sshll.u32 s27, $0x1;
	_ =	strace $0x8000005E;
	[dreg:$0x1] =	wrdreg $0xFFFFFFFF  }
0x1f: {  	s28 =	simm.s32 $_size_execute0_lowered;
	s1 =	sadd.s32 s1, s4;
	[dreg:$0x0] =	wrdreg $0x0  }
0x20: {  	s4 =	sshll.u32 s28, $0x1;
	[dreg:$0x2] =	wrdreg s1  }
0x21: {  	[dreg:$0x3] =	wrdreg s4  }
0x22: {  	[dreg:$0x4] =	wrdreg $0xC0  }
0x23: {  	_ =	task [dreg:s6], $0x5FFFF  }
0x24: {  	[dreg:$0x1] =	wrdreg $0xFFFFFFFF  }
0x25: {  	[dreg:$0x0] =	wrdreg $0x60  }
0x26: {  	[dreg:$0x2] =	wrdreg s25  }
0x27: {  	[dreg:$0x3] =	wrdreg $0x9  }
0x28: {  	_ =	task.clear_ibuf [dreg:s6], $0x4FFFF;
	_ =	strace $0x9000005E  }
0x29: {  	s29 =	simm.s32 $0x9;
	_ =	strace $0x80000060  }
0x2a: {  	_ =	swait.ge [sflag:s29], $0x1  }
0x2b: {  	[sflag:s29] =	ssyncadd.s32 $0xFFFFFFFF  }
0x2c: {  	_ =	strace $0x90000060  }
0x2d: {  	_ =	sfence  }
0x2e: {  	s30 =	sld [smem:$0x0];
	_ =	sdelay $0x2  }
0x2f: {  	s31 =	sshll.u32 s3, $0xD;
	s3 =	sshrl.u32 s3, $0x2  }
0x30: {  	s2 =	sand.u32 $0x4000, s31;
	s1 =	sadd.s32 s3, s30  }
0x31: {  	s0 =	sor.u32 s2, s0;
	s1 =	sshll.u32 s1, $0x11  }
0x32: {  	s0 =	sor.u32 s1, s0  }
0x33: {  	s0 =	sadd.s32 $0x8F2B, s0  }
0x34: {  	[sflag:s0] =	ssyncadd.remote.s32 $0x1  }
0x35: {  	_ =	sfence.sel $0xFFFF  }
0x36: {  	[dreg:$0x0] =	wrdreg $0xFFFFFFFF;
	(pc) =	sbr.abs _section_cstart, $3  }
0x37: {  	[dreg:$0x1] =	wrdreg $0xFFFFFFFF  }
0x38: {  	_ =	task.clear_ibuf [dreg:s6], $0x2FFFF;
	_ =	strace $0x9FFFFFFF  }
0x39: {  	(tm) =	ssettm $0x7FFFFFFF  }
tec
execute0_lowered:
.L_overlay_start_1:
0x0: {  	(tag) =	ssettag $0x1  }
0x1: {  	s0 =	stileid.u32;
	s1 =	srdreg.scid  }
0x2: {  	s4 =	rddreg [dreg:$0x0];
	s7 =	simm.s32 $0x1;
	s31 =	simm.s32 $0x2  }
0x3: {  	s14 =	simm.s32 $0x0;
	s2 =	sshll.u32 s0, $0x5;
	s1 =	sshll.u32 s1, $0x9  }
0x4: {  	s9 =	simm.s32 $0x4000;
	s15 =	simm.s32 $0x0;
	s1 =	sor.u32 s2, s1  }
0x5: {  	s16 =	simm.s32 $0x0;
	s10 =	simm.s32 $0x0;
	s2 =	sand.u32 $0x380, s1  }
0x6: {  	s13 =	simm.s32 $0x0;
	s3 =	sadd.s32 $0x250000, s4;
	s5 =	ssub.s32 $0x800, s2  }
0x7: {  	s4 =	sadd.s32 $0x511C00, s4;
	s1 =	rddreg [dreg:$0x1];
	s6 =	sand.u32 $0x380, s5  }
.Ltmp0:
0x8: {  	_ =	strace $0x8000005F;
	p0 =	sne.s32 s6, $0x0;
	(pc) =	sbr.rel .LBB1_1-.Ltmp0, $4  }
0x9: {  	s11 =	smov.u32 s2;
	s8 =	sshrl.u32 s5, $0xA;
	s7 =	simm.s32 @!p0 $0x0  }
0xa: {  	s5 =	sand.u32 $0x3, s0;
	s6 =	simm.s32 $0x1;
	s7 =	sadd.s32 s7, s8  }
0xb: {  	s12 =	smov.u32 s5;
	[sflag:s6] =	ssyncpa.u1 $0x0;
	s7 =	sshll.u32 s7, $0x4  }
0xc: {  	p0 =	por $0x0, $0x0;
	[sflag:s31] =	ssyncpa.u1 $0x0;
	s8 =	sor.u32 $0x1, s7  }
.LBB1_4:
0xd: {  	s19 =	sshll.u32 s15, $0x3  }
0xe: {  	s20 =	sand.u32 $0x78, s15;
	s16 =	sshll.u32 s16, $0x12;
	s30 =	sand.u32 $0x3F00, s15  }
0xf: {  	s14 =	sshll.u32 s14, $0xE;
	s19 =	sand.u32 $0x400, s19;
	s16 =	sadd.s32 s4, s16  }
0x10: {  	[tilespmem:s18+$0x810 ss:$0x81] =	vst.msk $0xffff, v2;
	s31 =	sand.u32 $0x7, s15;
	s19 =	sor.u32 s20, s19;
	s16 =	sadd.s32 s30, s16  }
0x11: {  	[tilespmem:s18+$0x1020 ss:$0x81] =	vst.msk $0xffff, v0;
	s15 =	sshll.u32 s31, $0x12;
	s19 =	sshrl.u32 s19, $0x3;
	s14 =	sadd.s32 s14, s16  }
0x12: {  	[tilespmem:s18+$0x0 ss:$0x81] =	vst.msk $0xffff, v1;
	s15 =	sor.u32 $0x400, s15;
	s14 =	sadd.s32 s19, s14  }
0x13: {  	[hbm4b:s14+s15] =	stream.strided.scatter [tilespmem:s17], [sflag:$0x2], $0x2000, s9, s15, $0x20;
	[tilespmem:$0x8080] =	vst v63  }
.LBB1_5:
0x14: {  	s17 =	sadd.s32 $0x1, s10  }
0x15: {  	s14 =	sadd.s32 $0x400, s11;
	s18 =	smov.u32 s11;
	p2 =	sgt.s32 s17, $0xF  }
0x16: {  	s18 =	smov.u32 @p2 s14  }
0x17: {  	s20 =	smov.u32 s12;
	s14 =	sadd.s32 $0x4, s12;
	p3 =	sgt.s32 s18, $0x7FF  }
0x18: {  	s20 =	smov.u32 @p3 s14  }
0x19: {  	s17 =	simm.s32 @p2 $0x0;
	p2 =	sgt.s32 s20, $0x3  }
0x1a: {  	p1 =	slt.u32 s13, $0x2;
	s20 =	smov.u32 @p2 s5;
	p2 =	sne.s32 s13, s8  }
.Ltmp1:
0x1b: {  	s19 =	simm.s32 @!p1 $0x2;
	(pc) =	sbr.rel @!p2 .LBB1_6-.Ltmp1, $4  }
0x1c: {  	s15 =	smov.u32 s11;
	s16 =	smov.u32 s12;
	_ =	swait.ge @!p1 [sflag:s19], $0x2000  }
0x1d: {  	p0 =	por !p0, !p0;
	[sflag:s19] =	ssyncset.done @!p1 $0x0;
	s18 =	smov.u32 @p3 s2  }
0x1e: {  	s14 =	smov.u32 s10;
	[sflag:s19] =	ssyncadd.s32 @!p1 $0xFFFFE000;
	s10 =	smov.u32 s17  }
0x1f: {  	s11 =	smov.u32 s18;
	s13 =	sadd.s32 $0x1, s13;
	s12 =	smov.u32 s20  }
.LBB1_1:
0x20: {  	p1 =	sge.u32 s13, s7;
	s31 =	sadd.s32 $0xFFFFFFFF, s13  }
0x21: {  	s17 =	sxor.u32 @!p1 $0xFFFFFFFF, s13;
	s18 =	sshll.u32 @!p1 s12, $0x13;
	s19 =	sshll.u32 @!p1 s11, $0x8  }
0x22: {  	s20 =	sshll.u32 @!p1 s10, $0x4;
	s17 =	sshll.u32 @!p1 s17, $0xD;
	s18 =	sadd.s32 @!p1 s3, s18  }
0x23: {  	s20 =	sand.u32 @!p1 $0xF0, s20;
	s17 =	sand.u32 @!p1 $0x2000, s17;
	s18 =	sadd.s32 @!p1 s19, s18  }
0x24: {  	s19 =	simm.s32 @!p1 $0x40;
	s18 =	sadd.s32 @!p1 s20, s18;
	s20 =	simm.s32 @!p1 $0x800  }
0x25: {  	[tilespmem:s17], [sflag:$0x1] =	stream.strided.gather @!p1 [hbm4b:s18+s19], $0x2000, s20, s19, $0x38;
	[tilespmem:$0x8080] =	vst v63  }
0x26: {  	p1 =	sge.u32 s31, s7  }
.Ltmp2:
0x27: {  	_ = 	snop;
	(pc) =	sbr.rel @p1 .LBB1_5-.Ltmp2, $1  }
0x28: {  	_ =	sdelay $0x3  }
0x29: {  	s17 =	simm.s32 $0x1  }
0x2a: {  	_ =	swait.ge [sflag:s6], $0x2000;
	s17 =	simm.s32 @!p0 $0x0  }
0x2b: {  	[sflag:s6] =	ssyncset.done $0x0;
	s18 =	sshll.u32 s17, $0xD  }
0x2c: {  	[sflag:s6] =	ssyncadd.s32 $0xFFFFE000;
	s21 =	sor.u32 $0x20, s18  }
0x2d: {  	s17 =	smul.u32 $0x8100, s17;
	v3 =	vld [tilespmem:s21+$0x10]  }
0x2e: {  	s30 =	sand.u32 $0x1, s13;
	v2 =	vld [tilespmem:s21+$0xFFFFFFF0]  }
0x2f: {  	s18 =	smul.u32 $0x8100, s30;
	s17 =	sshrl.u32 s17, $0x2;
	v0 =	vld [tilespmem:s21+$0x0]  }
0x30: {  	v1 =	vld [tilespmem:s21+$0xFFFFFFE0];
	s19 =	sor.u32 $0x4000, s17  }
0x31: {  	s31 =	sshrl.u32 s18, $0x2;
	s18 =	sadd.s32 $0x0, s19  }
0x32: {  	s20 =	simm.s32 $0x4;
	s21 =	sadd.s32 $0x40, s21;
	s17 =	sor.u32 $0x4000, s31;
	[tilespmem:s18+$0x1830 ss:$0x81] =	vst.msk $0xffff, v3  }
.LBB1_3:
0x33: {  	v3 =	vld [tilespmem:s21+$0x10];
	p1 =	sne.s32 s20, $0x1FC;
	[tilespmem:s18+$0x810 ss:$0x81] =	vst.msk $0xffff, v2;
	s22 =	smov.u32 s20;
	s20 =	sadd.s32 $0x4, s20  }
.Ltmp3:
0x34: {  	v2 =	vld [tilespmem:s21+$0xFFFFFFF0];
	[tilespmem:s18+$0x1020 ss:$0x81] =	vst.msk $0xffff, v0;
	(pc) =	sbr.rel @p1 .LBB1_3-.Ltmp3, $4  }
0x35: {  	v0 =	vld [tilespmem:s21+$0x0];
	[tilespmem:s18+$0x0 ss:$0x81] =	vst.msk $0xffff, v1  }
0x36: {  	s18 =	sshra.s32 s22, $0x2;
	v1 =	vld [tilespmem:s21+$0xFFFFFFE0]  }
0x37: {  	s18 =	sadd.s32 s18, s19  }
0x38: {  	s21 =	sadd.s32 $0x40, s21;
	[tilespmem:s18+$0x1830 ss:$0x81] =	vst.msk $0xffff, v3  }
.Ltmp4:
0x39: {  	_ = 	snop;
	(pc) =	sbr.rel .LBB1_4-.Ltmp4, $1  }
0x3a: {  	_ =	sdelay $0x3  }
.LBB1_6:
0x3b: {  	_ =	sfence.sel $0x180000  }
0x3c: {  	s2 =	simm.s32 $0x1;
	[bflag:$0x0] =	sbarrier.arrive $0xFFFF  }
0x3d: {  	s31 =	simm.s32 $0x2;
	[sflag:s2] =	ssyncpa.u1 $0x1  }
0x3e: {  	[sflag:s31] =	ssyncpa.u1 $0x1  }
0x3f: {  	p0 =	sne.s32 s0, $0x0;
	_ =	strace $0x9000005F  }
0x40: {  	s0 =	sadd.s32 @!p0 $0x100000, s1;
	[bflag:$0x2] =	sbarrier.arrive $0xFFFF  }
0x41: {  	[sflag:s0] =	ssyncadd.tile.s32 @!p0 $0x1;
	_ =	shalt  }
.Lfunc_end1:
_tile_overlayer_lowered:
.L_overlay_start_2:
0x42: {  	(tag) =	ssettag $0x2  }
0x43: {  	s0 =	rddreg [dreg:$0x0];
	s2 =	stileid.u32  }
0x44: {  	s1 =	rddreg [dreg:$0x1];
	p0 =	sne.s32 s2, $0x0  }
0x45: {  	s3 =	rddreg [dreg:$0x2];
	[bflag:$0x3] =	sbarrier.arrive $0xFFFF;
	s2 =	simm.s32 @!p0 $0x1C01  }
0x46: {  	[timem:s3], [sflag:s2] =	dma.local @!p0 [hbm:s0], s1  }
0x47: {  	s0 =	simm.s32 @!p0 $0x1  }
0x48: {  	_ =	swait.ge @!p0 [sflag:s0], s1  }
0x49: {  	s1 =	ssub.s32 @!p0 $0x0, s1;
	[sflag:s0] =	ssyncset.done @!p0 $0x0  }
0x4a: {  	[sflag:s0] =	ssyncadd.s32 @!p0 s1  }
0x4b: {  	[bflag:$0x3] =	sbarrier.arrive $0xFFFF  }
0x4c: {  	_ =	shalt  }

// kernel: sparse-core-data-format-call.5.cloned.1.call-start
scs
called_computation.5_lowered:
.L_overlay_start_0:
0x0: {  	s1 =	sld [smem:$0x3FD9]  }
0x1: {  	s2 =	sld [smem:$0x3FFE];
	_ =	sdelay $0x1  }
0x2: {  	s3 =	srdreg.scid  }
0x3: {  	s0 =	sand.u32 $0x1, s3  }
0x4: {  	s17 =	sshll.u32 s0, $0xA;
	s1 =	sadd.s32 s2, s1  }
0x5: {  	s1 =	sadd.s32 s1, s17  }
0x6: {  	[smem:$0x3FB1] =	sst s1  }
0x7: {  	_ = 	snop  }
0x8: {  	(tm) =	ssettm $0x1  }
0x9: {  	s18 =	sld [smem:$0x3FFB];
	_ =	sdelay $0x3  }
0xa: {  	_ =	strace s18  }
0xb: {  	s1 =	sld [smem:$0x3FFC];
	_ =	sdelay $0x3  }
0xc: {  	_ =	strace s1  }
0xd: {  	s1 =	sld [smem:$0x3FFD];
	_ =	sdelay $0x3  }
0xe: {  	_ =	strace s1  }
0xf: {  	_ =	strace $0x8FFFFFFF  }
0x10: {  	s19 =	sld [smem:$0x3FDB];
	_ =	sdelay $0x1  }
0x11: {  	s20 =	simm.s32 $_scs_section_size  }
0x12: {  	s4 =	simm.s32 $_size__tile_overlayer_lowered;
	s5 =	simm.s32 $_tile_overlayer_lowered  }
0x13: {  	s23 =	simm.s32 $0x1BFF;
	s22 =	sshll.u32 s5, $0x1;
	s1 =	sadd.s32 s20, s19  }
0x14: {  	s6 =	simm.s32 $0x0;
	s21 =	sshll.u32 s4, $0x1;
	s4 =	sadd.s32 s22, s1  }
0x15: {  	[timem:s6], [sflag:s23] =	dma.local [hbm:s4], s21  }
0x16: {  	_ =	swait.ge [sflag:s23], s21  }
0x17: {  	s2 =	ssub.s32 $0x0, s21;
	[sflag:s23] =	ssyncset.done $0x0  }
0x18: {  	[sflag:s23] =	ssyncadd.s32 s2;
	_ =	sdelay $0x1  }
0x19: {  	s24 =	simm.s32 $0x1B8B  }
0x1a: {  	_ =	swait.ge [sflag:s24], $0x1  }
0x1b: {  	[sflag:s24] =	ssyncset.done $0x0  }
0x1c: {  	s26 =	simm.s32 $0x1B8E;
	s25 =	sld [smem:$0x3FFE];
	[sflag:s24] =	ssyncadd.s32 $0xFFFFFFFF  }
0x1d: {  	s27 =	simm.s32 $execute0_lowered;
	[smem:$0x3FD2] =	sst s26  }
0x1e: {  	s4 =	sshll.u32 s27, $0x1;
	_ =	strace $0x8000005B;
	[dreg:$0x1] =	wrdreg $0xFFFFFFFF  }
0x1f: {  	s28 =	simm.s32 $_size_execute0_lowered;
	s1 =	sadd.s32 s1, s4;
	[dreg:$0x0] =	wrdreg $0x0  }
0x20: {  	s4 =	sshll.u32 s28, $0x1;
	[dreg:$0x2] =	wrdreg s1  }
0x21: {  	[dreg:$0x3] =	wrdreg s4  }
0x22: {  	[dreg:$0x4] =	wrdreg $0xC0  }
0x23: {  	_ =	task [dreg:s6], $0x5FFFF  }
0x24: {  	[dreg:$0x1] =	wrdreg $0xFFFFFFFF  }
0x25: {  	[dreg:$0x0] =	wrdreg $0x60  }
0x26: {  	[dreg:$0x2] =	wrdreg s25  }
0x27: {  	[dreg:$0x3] =	wrdreg $0x9  }
0x28: {  	_ =	task.clear_ibuf [dreg:s6], $0x4FFFF;
	_ =	strace $0x9000005B  }
0x29: {  	s29 =	simm.s32 $0x9;
	_ =	strace $0x8000005D  }
0x2a: {  	_ =	swait.ge [sflag:s29], $0x1  }
0x2b: {  	[sflag:s29] =	ssyncadd.s32 $0xFFFFFFFF  }
0x2c: {  	_ =	strace $0x9000005D  }
0x2d: {  	_ =	sfence  }
0x2e: {  	s30 =	sld [smem:$0x0];
	_ =	sdelay $0x2  }
0x2f: {  	s31 =	sshll.u32 s3, $0xD;
	s3 =	sshrl.u32 s3, $0x2  }
0x30: {  	s2 =	sand.u32 $0x4000, s31;
	s1 =	sadd.s32 s3, s30  }
0x31: {  	s0 =	sor.u32 s2, s0;
	s1 =	sshll.u32 s1, $0x11  }
0x32: {  	s0 =	sor.u32 s1, s0  }
0x33: {  	s0 =	sadd.s32 $0x8F2B, s0  }
0x34: {  	[sflag:s0] =	ssyncadd.remote.s32 $0x1  }
0x35: {  	_ =	sfence.sel $0xFFFF  }
0x36: {  	[dreg:$0x0] =	wrdreg $0xFFFFFFFF;
	(pc) =	sbr.abs _section_cstart, $3  }
0x37: {  	[dreg:$0x1] =	wrdreg $0xFFFFFFFF  }
0x38: {  	_ =	task.clear_ibuf [dreg:s6], $0x2FFFF;
	_ =	strace $0x9FFFFFFF  }
0x39: {  	(tm) =	ssettm $0x7FFFFFFF  }
tec
execute0_lowered:
.L_overlay_start_1:
0x0: {  	(tag) =	ssettag $0x1  }
0x1: {  	s0 =	stileid.u32;
	s1 =	srdreg.scid  }
0x2: {  	s4 =	rddreg [dreg:$0x0];
	s7 =	simm.s32 $0x1;
	s31 =	simm.s32 $0x2  }
0x3: {  	s16 =	simm.s32 $0x0;
	s2 =	sshll.u32 s0, $0x5;
	s1 =	sshll.u32 s1, $0x9  }
0x4: {  	s9 =	simm.s32 $0x4000;
	s14 =	simm.s32 $0x0;
	s1 =	sor.u32 s2, s1  }
0x5: {  	s15 =	simm.s32 $0x0;
	s10 =	simm.s32 $0x0;
	s2 =	sand.u32 $0x380, s1  }
0x6: {  	s13 =	simm.s32 $0x0;
	s3 =	sadd.s32 $0x250000, s4;
	s5 =	ssub.s32 $0x800, s2  }
0x7: {  	s4 =	sadd.s32 $0x511C00, s4;
	s1 =	rddreg [dreg:$0x1];
	s6 =	sand.u32 $0x380, s5  }
.Ltmp0:
0x8: {  	_ =	strace $0x8000005C;
	p0 =	sne.s32 s6, $0x0;
	(pc) =	sbr.rel .LBB1_1-.Ltmp0, $4  }
0x9: {  	s11 =	smov.u32 s2;
	s8 =	sshrl.u32 s5, $0xA;
	s7 =	simm.s32 @!p0 $0x0  }
0xa: {  	s5 =	sand.u32 $0x3, s0;
	s6 =	simm.s32 $0x1;
	s7 =	sadd.s32 s7, s8  }
0xb: {  	s12 =	smov.u32 s5;
	[sflag:s6] =	ssyncpa.u1 $0x0;
	s7 =	sshll.u32 s7, $0x4  }
0xc: {  	p0 =	por $0x0, $0x0;
	[sflag:s31] =	ssyncpa.u1 $0x0;
	s8 =	sor.u32 $0x1, s7  }
.LBB1_4:
0xd: {  	v5 =	vld [tilespmem:s19+$0xFFFFFFD0]  }
0xe: {  	[tilespmem:s20+$0x2040 ss:$0x81] =	vst.msk $0xffff, v1;
	v58 =	vld [tilespmem:s19+$0xFFFFFFE0]  }
0xf: {  	[tilespmem:s20+$0x2850 ss:$0x81] =	vst.msk $0xffff, v2;
	v59 =	vld [tilespmem:s19+$0xFFFFFFF0]  }
0x10: {  	s21 =	sshra.s32 s21, $0x2;
	[tilespmem:s20+$0x3060 ss:$0x81] =	vst.msk $0xffff, v3;
	v60 =	vld [tilespmem:s19+$0x0]  }
0x11: {  	[tilespmem:s20+$0x0 ss:$0x81] =	vst.msk $0xffff, v0;
	v61 =	vld [tilespmem:s19+$0x10];
	s18 =	sadd.s32 s21, s18  }
0x12: {  	s26 =	sshll.u32 s16, $0xB;
	v62 =	vld [tilespmem:s19+$0x20];
	[tilespmem:s18+$0x3870 ss:$0x81] =	vst.msk $0xffff, v4  }
0x13: {  	s27 =	sand.u32 $0x78, s14;
	s22 =	sshll.u32 s14, $0x3;
	v63 =	vld [tilespmem:s19+$0xFFFFFFC0];
	s29 =	sshll.u32 s16, $0x7;
	[tilespmem:s18+$0x810 ss:$0x81] =	vst.msk $0xffff, v5  }
0x14: {  	s15 =	sshll.u32 s15, $0x13;
	s20 =	sand.u32 $0x3FC000, s26;
	s28 =	sand.u32 $0x3FFC00, s22;
	[tilespmem:s18+$0x1020 ss:$0x81] =	vst.msk $0xffff, v58  }
0x15: {  	s31 =	sand.u32 $0x7, s14;
	s22 =	sand.u32 $0x400, s22;
	s19 =	sadd.s32 s28, s20;
	[tilespmem:s18+$0x1830 ss:$0x81] =	vst.msk $0xffff, v59  }
0x16: {  	s16 =	sand.u32 $0x380, s29;
	s30 =	sor.u32 s27, s22;
	s19 =	sshrl.u32 s19, $0x3;
	[tilespmem:s18+$0x2040 ss:$0x81] =	vst.msk $0xffff, v60  }
0x17: {  	s15 =	sadd.s32 s4, s15;
	s16 =	sor.u32 s16, s30;
	s19 =	sand.u32 $0x7FF00, s19;
	[tilespmem:s18+$0x2850 ss:$0x81] =	vst.msk $0xffff, v61  }
0x18: {  	s14 =	sshll.u32 s31, $0x12;
	s16 =	sshrl.u32 s16, $0x3;
	[tilespmem:s18+$0x3060 ss:$0x81] =	vst.msk $0xffff, v62;
	s15 =	sadd.s32 s19, s15  }
0x19: {  	s14 =	sor.u32 $0x400, s14;
	[tilespmem:s18+$0x0 ss:$0x81] =	vst.msk $0xffff, v63;
	s15 =	sadd.s32 s16, s15  }
0x1a: {  	[hbm4b:s15+s14] =	stream.strided.scatter [tilespmem:s17], [sflag:$0x2], $0x4000, s9, s14, $0x20;
	[tilespmem:$0x10100] =	vst v63  }
.LBB1_5:
0x1b: {  	s17 =	sadd.s32 $0x80, s10  }
0x1c: {  	s14 =	sadd.s32 $0x400, s11;
	s18 =	smov.u32 s11;
	p2 =	sgt.s32 s17, $0x7FF  }
0x1d: {  	s18 =	smov.u32 @p2 s14  }
0x1e: {  	s20 =	smov.u32 s12;
	s14 =	sadd.s32 $0x4, s12;
	p3 =	sgt.s32 s18, $0x7FF  }
0x1f: {  	s20 =	smov.u32 @p3 s14  }
0x20: {  	s17 =	simm.s32 @p2 $0x0;
	p2 =	sgt.s32 s20, $0x3  }
0x21: {  	p1 =	slt.u32 s13, $0x2;
	s20 =	smov.u32 @p2 s5;
	p2 =	sne.s32 s13, s8  }
.Ltmp1:
0x22: {  	s19 =	simm.s32 @!p1 $0x2;
	(pc) =	sbr.rel @!p2 .LBB1_6-.Ltmp1, $4  }
0x23: {  	s16 =	smov.u32 s10;
	s15 =	smov.u32 s12;
	_ =	swait.ge @!p1 [sflag:s19], $0x4000  }
0x24: {  	p0 =	por !p0, !p0;
	[sflag:s19] =	ssyncset.done @!p1 $0x0;
	s10 =	smov.u32 s17  }
0x25: {  	s18 =	smov.u32 @p3 s2;
	s14 =	smov.u32 s11;
	[sflag:s19] =	ssyncadd.s32 @!p1 $0xFFFFC000  }
0x26: {  	s11 =	smov.u32 s18;
	s13 =	sadd.s32 $0x1, s13;
	s12 =	smov.u32 s20  }
.LBB1_1:
0x27: {  	p1 =	sge.u32 s13, s7;
	s31 =	sadd.s32 $0xFFFFFFFF, s13  }
0x28: {  	s17 =	sxor.u32 @!p1 $0xFFFFFFFF, s13;
	s18 =	sand.u32 @!p1 $0x78, s10;
	s19 =	sshll.u32 @!p1 s11, $0xB  }
0x29: {  	s20 =	sshll.u32 @!p1 s11, $0x7;
	s21 =	sshll.u32 @!p1 s10, $0x3;
	s17 =	sshll.u32 @!p1 s17, $0xE  }
0x2a: {  	s19 =	sand.u32 @!p1 $0x3FC000, s19;
	s20 =	sand.u32 @!p1 $0x380, s20;
	s17 =	sand.u32 @!p1 $0x4000, s17  }
0x2b: {  	s19 =	sadd.s32 @!p1 s19, s21;
	s21 =	sand.u32 @!p1 $0x400, s21;
	s18 =	sor.u32 @!p1 s20, s18  }
0x2c: {  	s20 =	sshll.u32 @!p1 s12, $0x13;
	s18 =	sor.u32 @!p1 s21, s18;
	s19 =	sshrl.u32 @!p1 s19, $0x3  }
0x2d: {  	s20 =	sadd.s32 @!p1 s3, s20;
	s21 =	sand.u32 @!p1 $0x7, s10;
	s19 =	sand.u32 @!p1 $0x7FF00, s19  }
0x2e: {  	s18 =	sshrl.u32 @!p1 s18, $0x3;
	s19 =	sadd.s32 @!p1 s19, s20;
	s20 =	sshll.u32 @!p1 s21, $0x12  }
0x2f: {  	s18 =	sadd.s32 @!p1 s18, s19;
	s19 =	sor.u32 @!p1 $0x400, s20;
	s20 =	simm.s32 @!p1 $0x4000  }
0x30: {  	[tilespmem:s17], [sflag:$0x1] =	stream.strided.gather @!p1 [hbm4b:s18+s19], $0x4000, s20, s19, $0x38;
	[tilespmem:$0x10100] =	vst v63  }
0x31: {  	p1 =	sge.u32 s31, s7  }
.Ltmp2:
0x32: {  	_ = 	snop;
	(pc) =	sbr.rel @p1 .LBB1_5-.Ltmp2, $1  }
0x33: {  	_ =	sdelay $0x3  }
0x34: {  	s17 =	simm.s32 $0x1  }
0x35: {  	_ =	swait.ge [sflag:s6], $0x4000;
	s17 =	simm.s32 @!p0 $0x0  }
0x36: {  	[sflag:s6] =	ssyncset.done $0x0;
	s18 =	sshll.u32 s17, $0xE  }
0x37: {  	[sflag:s6] =	ssyncadd.s32 $0xFFFFC000;
	s19 =	sor.u32 $0x40, s18  }
0x38: {  	s17 =	smul.u32 $0x10200, s17;
	v0 =	vld [tilespmem:s19+$0x30]  }
0x39: {  	v3 =	vld [tilespmem:s19+$0xFFFFFFD0]  }
0x3a: {  	s17 =	sshrl.u32 s17, $0x2;
	v4 =	vld [tilespmem:s19+$0xFFFFFFE0]  }
0x3b: {  	v5 =	vld [tilespmem:s19+$0xFFFFFFF0];
	s18 =	sor.u32 $0x8000, s17  }
0x3c: {  	s31 =	sand.u32 $0x1, s13;
	v1 =	vld [tilespmem:s19+$0x0];
	s20 =	sadd.s32 $0x0, s18  }
0x3d: {  	v2 =	vld [tilespmem:s19+$0x10];
	s17 =	smul.u32 $0x10200, s31;
	[tilespmem:s20+$0x3870 ss:$0x81] =	vst.msk $0xffff, v0  }
0x3e: {  	[tilespmem:s20+$0x810 ss:$0x81] =	vst.msk $0xffff, v3;
	v3 =	vld [tilespmem:s19+$0x20]  }
0x3f: {  	s17 =	sshrl.u32 s17, $0x2;
	v0 =	vld [tilespmem:s19+$0xFFFFFFC0];
	[tilespmem:s20+$0x1020 ss:$0x81] =	vst.msk $0xffff, v4;
	s19 =	sadd.s32 $0x80, s19  }
0x40: {  	s21 =	simm.s32 $0x4;
	s22 =	simm.s32 $0x8;
	s17 =	sor.u32 $0x8000, s17;
	[tilespmem:s20+$0x1830 ss:$0x81] =	vst.msk $0xffff, v5;
	v4 =	vld [tilespmem:s19+$0x30]  }
.LBB1_3:
0x41: {  	p1 =	sne.s32 s22, $0x1FC;
	v5 =	vld [tilespmem:s19+$0xFFFFFFD0];
	[tilespmem:s20+$0x2040 ss:$0x81] =	vst.msk $0xffff, v1  }
0x42: {  	v6 =	vld [tilespmem:s19+$0xFFFFFFE0];
	[tilespmem:s20+$0x2850 ss:$0x81] =	vst.msk $0xffff, v2  }
0x43: {  	s23 =	sshra.s32 s21, $0x2;
	s21 =	smov.u32 s22;
	v7 =	vld [tilespmem:s19+$0xFFFFFFF0];
	[tilespmem:s20+$0x3060 ss:$0x81] =	vst.msk $0xffff, v3  }
.Ltmp3:
0x44: {  	v1 =	vld [tilespmem:s19+$0x0];
	[tilespmem:s20+$0x0 ss:$0x81] =	vst.msk $0xffff, v0;
	s20 =	sadd.s32 s23, s18;
	(pc) =	sbr.rel @p1 .LBB1_3-.Ltmp3, $4  }
0x45: {  	v2 =	vld [tilespmem:s19+$0x10];
	[tilespmem:s20+$0x3870 ss:$0x81] =	vst.msk $0xffff, v4  }
0x46: {  	[tilespmem:s20+$0x810 ss:$0x81] =	vst.msk $0xffff, v5;
	v3 =	vld [tilespmem:s19+$0x20]  }
0x47: {  	v0 =	vld [tilespmem:s19+$0xFFFFFFC0];
	[tilespmem:s20+$0x1020 ss:$0x81] =	vst.msk $0xffff, v6;
	s19 =	sadd.s32 $0x80, s19  }
0x48: {  	s22 =	sadd.s32 $0x4, s22;
	v4 =	vld [tilespmem:s19+$0x30];
	[tilespmem:s20+$0x1830 ss:$0x81] =	vst.msk $0xffff, v7  }
.Ltmp4:
0x49: {  	_ = 	snop;
	(pc) =	sbr.rel .LBB1_4-.Ltmp4, $1  }
0x4a: {  	_ =	sdelay $0x3  }
.LBB1_6:
0x4b: {  	_ =	sfence.sel $0x180000  }
0x4c: {  	s2 =	simm.s32 $0x1;
	[bflag:$0x0] =	sbarrier.arrive $0xFFFF  }
0x4d: {  	s31 =	simm.s32 $0x2;
	[sflag:s2] =	ssyncpa.u1 $0x1  }
0x4e: {  	[sflag:s31] =	ssyncpa.u1 $0x1  }
0x4f: {  	p0 =	sne.s32 s0, $0x0;
	_ =	strace $0x9000005C  }
0x50: {  	s0 =	sadd.s32 @!p0 $0x100000, s1;
	[bflag:$0x2] =	sbarrier.arrive $0xFFFF  }
0x51: {  	[sflag:s0] =	ssyncadd.tile.s32 @!p0 $0x1;
	_ =	shalt  }
.Lfunc_end1:
_tile_overlayer_lowered:
.L_overlay_start_2:
0x52: {  	(tag) =	ssettag $0x2  }
0x53: {  	s0 =	rddreg [dreg:$0x0];
	s2 =	stileid.u32  }
0x54: {  	s1 =	rddreg [dreg:$0x1];
	p0 =	sne.s32 s2, $0x0  }
0x55: {  	s3 =	rddreg [dreg:$0x2];
	[bflag:$0x3] =	sbarrier.arrive $0xFFFF;
	s2 =	simm.s32 @!p0 $0x1C01  }
0x56: {  	[timem:s3], [sflag:s2] =	dma.local @!p0 [hbm:s0], s1  }
0x57: {  	s0 =	simm.s32 @!p0 $0x1  }
0x58: {  	_ =	swait.ge @!p0 [sflag:s0], s1  }
0x59: {  	s1 =	ssub.s32 @!p0 $0x0, s1;
	[sflag:s0] =	ssyncset.done @!p0 $0x0  }
0x5a: {  	[sflag:s0] =	ssyncadd.s32 @!p0 s1  }
0x5b: {  	[bflag:$0x3] =	sbarrier.arrive $0xFFFF  }
0x5c: {  	_ =	shalt  }

// kernel: sparse-core-data-format-call.6.cloned.1.call-start
scs
called_computation.6_lowered:
.L_overlay_start_0:
0x0: {  	s1 =	sld [smem:$0x3FD9]  }
0x1: {  	s2 =	sld [smem:$0x3FFE];
	_ =	sdelay $0x1  }
0x2: {  	s3 =	srdreg.scid  }
0x3: {  	s0 =	sand.u32 $0x1, s3  }
0x4: {  	s17 =	sshll.u32 s0, $0xA;
	s1 =	sadd.s32 s2, s1  }
0x5: {  	s1 =	sadd.s32 s1, s17  }
0x6: {  	[smem:$0x3FB1] =	sst s1  }
0x7: {  	_ = 	snop  }
0x8: {  	(tm) =	ssettm $0x1  }
0x9: {  	s18 =	sld [smem:$0x3FFB];
	_ =	sdelay $0x3  }
0xa: {  	_ =	strace s18  }
0xb: {  	s1 =	sld [smem:$0x3FFC];
	_ =	sdelay $0x3  }
0xc: {  	_ =	strace s1  }
0xd: {  	s1 =	sld [smem:$0x3FFD];
	_ =	sdelay $0x3  }
0xe: {  	_ =	strace s1  }
0xf: {  	_ =	strace $0x8FFFFFFF  }
0x10: {  	s19 =	sld [smem:$0x3FDB];
	_ =	sdelay $0x1  }
0x11: {  	s20 =	simm.s32 $_scs_section_size  }
0x12: {  	s4 =	simm.s32 $_size__tile_overlayer_lowered;
	s5 =	simm.s32 $_tile_overlayer_lowered  }
0x13: {  	s23 =	simm.s32 $0x1BFF;
	s22 =	sshll.u32 s5, $0x1;
	s1 =	sadd.s32 s20, s19  }
0x14: {  	s6 =	simm.s32 $0x0;
	s21 =	sshll.u32 s4, $0x1;
	s4 =	sadd.s32 s22, s1  }
0x15: {  	[timem:s6], [sflag:s23] =	dma.local [hbm:s4], s21  }
0x16: {  	_ =	swait.ge [sflag:s23], s21  }
0x17: {  	s2 =	ssub.s32 $0x0, s21;
	[sflag:s23] =	ssyncset.done $0x0  }
0x18: {  	[sflag:s23] =	ssyncadd.s32 s2;
	_ =	sdelay $0x1  }
0x19: {  	s24 =	simm.s32 $0x1B8B  }
0x1a: {  	_ =	swait.ge [sflag:s24], $0x1  }
0x1b: {  	[sflag:s24] =	ssyncset.done $0x0  }
0x1c: {  	s26 =	simm.s32 $0x1B8E;
	s25 =	sld [smem:$0x3FFE];
	[sflag:s24] =	ssyncadd.s32 $0xFFFFFFFF  }
0x1d: {  	s27 =	simm.s32 $execute0_lowered;
	[smem:$0x3FD2] =	sst s26  }
0x1e: {  	s4 =	sshll.u32 s27, $0x1;
	_ =	strace $0x80000058;
	[dreg:$0x1] =	wrdreg $0xFFFFFFFF  }
0x1f: {  	s28 =	simm.s32 $_size_execute0_lowered;
	s1 =	sadd.s32 s1, s4;
	[dreg:$0x0] =	wrdreg $0x0  }
0x20: {  	s4 =	sshll.u32 s28, $0x1;
	[dreg:$0x2] =	wrdreg s1  }
0x21: {  	[dreg:$0x3] =	wrdreg s4  }
0x22: {  	[dreg:$0x4] =	wrdreg $0xC0  }
0x23: {  	_ =	task [dreg:s6], $0x5FFFF  }
0x24: {  	[dreg:$0x1] =	wrdreg $0xFFFFFFFF  }
0x25: {  	[dreg:$0x0] =	wrdreg $0x60  }
0x26: {  	[dreg:$0x2] =	wrdreg s25  }
0x27: {  	[dreg:$0x3] =	wrdreg $0x9  }
0x28: {  	_ =	task.clear_ibuf [dreg:s6], $0x4FFFF;
	_ =	strace $0x90000058  }
0x29: {  	s29 =	simm.s32 $0x9;
	_ =	strace $0x8000005A  }
0x2a: {  	_ =	swait.ge [sflag:s29], $0x1  }
0x2b: {  	[sflag:s29] =	ssyncadd.s32 $0xFFFFFFFF  }
0x2c: {  	_ =	strace $0x9000005A  }
0x2d: {  	_ =	sfence  }
0x2e: {  	s30 =	sld [smem:$0x0];
	_ =	sdelay $0x2  }
0x2f: {  	s31 =	sshll.u32 s3, $0xD;
	s3 =	sshrl.u32 s3, $0x2  }
0x30: {  	s2 =	sand.u32 $0x4000, s31;
	s1 =	sadd.s32 s3, s30  }
0x31: {  	s0 =	sor.u32 s2, s0;
	s1 =	sshll.u32 s1, $0x11  }
0x32: {  	s0 =	sor.u32 s1, s0  }
0x33: {  	s0 =	sadd.s32 $0x8F2B, s0  }
0x34: {  	[sflag:s0] =	ssyncadd.remote.s32 $0x1  }
0x35: {  	_ =	sfence.sel $0xFFFF  }
0x36: {  	[dreg:$0x0] =	wrdreg $0xFFFFFFFF;
	(pc) =	sbr.abs _section_cstart, $3  }
0x37: {  	[dreg:$0x1] =	wrdreg $0xFFFFFFFF  }
0x38: {  	_ =	task.clear_ibuf [dreg:s6], $0x2FFFF;
	_ =	strace $0x9FFFFFFF  }
0x39: {  	(tm) =	ssettm $0x7FFFFFFF  }
tec
execute0_lowered:
.L_overlay_start_1:
0x0: {  	(tag) =	ssettag $0x1  }
0x1: {  	s0 =	stileid.u32;
	s1 =	srdreg.scid  }
0x2: {  	s4 =	rddreg [dreg:$0x0];
	s7 =	simm.s32 $0x1;
	s31 =	simm.s32 $0x2  }
0x3: {  	s14 =	simm.s32 $0x0;
	s2 =	sshll.u32 s0, $0x5;
	s1 =	sshll.u32 s1, $0x9  }
0x4: {  	s9 =	simm.s32 $0x4000;
	s15 =	simm.s32 $0x0;
	s1 =	sor.u32 s2, s1  }
0x5: {  	s16 =	simm.s32 $0x0;
	s10 =	simm.s32 $0x0;
	s2 =	sand.u32 $0x380, s1  }
0x6: {  	s13 =	simm.s32 $0x0;
	s3 =	sadd.s32 $0x240000, s4;
	s5 =	ssub.s32 $0x800, s2  }
0x7: {  	s4 =	sadd.s32 $0x511C00, s4;
	s1 =	rddreg [dreg:$0x1];
	s6 =	sand.u32 $0x380, s5  }
.Ltmp0:
0x8: {  	_ =	strace $0x80000059;
	p0 =	sne.s32 s6, $0x0;
	(pc) =	sbr.rel .LBB1_1-.Ltmp0, $4  }
0x9: {  	s11 =	smov.u32 s2;
	s8 =	sshrl.u32 s5, $0xA;
	s7 =	simm.s32 @!p0 $0x0  }
0xa: {  	s5 =	sand.u32 $0x3, s0;
	s6 =	simm.s32 $0x1;
	s7 =	sadd.s32 s7, s8  }
0xb: {  	s12 =	smov.u32 s5;
	[sflag:s6] =	ssyncpa.u1 $0x0;
	s7 =	sshll.u32 s7, $0x4  }
0xc: {  	p0 =	por $0x0, $0x0;
	[sflag:s31] =	ssyncpa.u1 $0x0;
	s8 =	sor.u32 $0x1, s7  }
.LBB1_4:
0xd: {  	s19 =	sshll.u32 s15, $0x3  }
0xe: {  	s20 =	sand.u32 $0x78, s15;
	s16 =	sshll.u32 s16, $0x12;
	s30 =	sand.u32 $0x3F00, s15  }
0xf: {  	s14 =	sshll.u32 s14, $0xE;
	s19 =	sand.u32 $0x400, s19;
	s16 =	sadd.s32 s4, s16  }
0x10: {  	[tilespmem:s18+$0x810 ss:$0x81] =	vst.msk $0xffff, v2;
	s31 =	sand.u32 $0x7, s15;
	s19 =	sor.u32 s20, s19;
	s16 =	sadd.s32 s30, s16  }
0x11: {  	[tilespmem:s18+$0x1020 ss:$0x81] =	vst.msk $0xffff, v0;
	s15 =	sshll.u32 s31, $0x12;
	s19 =	sshrl.u32 s19, $0x3;
	s14 =	sadd.s32 s14, s16  }
0x12: {  	[tilespmem:s18+$0x0 ss:$0x81] =	vst.msk $0xffff, v1;
	s15 =	sor.u32 $0x400, s15;
	s14 =	sadd.s32 s19, s14  }
0x13: {  	[hbm4b:s14+s15] =	stream.strided.scatter [tilespmem:s17], [sflag:$0x2], $0x2000, s9, s15, $0x20;
	[tilespmem:$0x8080] =	vst v63  }
.LBB1_5:
0x14: {  	s17 =	sadd.s32 $0x1, s10  }
0x15: {  	s14 =	sadd.s32 $0x400, s11;
	s18 =	smov.u32 s11;
	p2 =	sgt.s32 s17, $0xF  }
0x16: {  	s18 =	smov.u32 @p2 s14  }
0x17: {  	s20 =	smov.u32 s12;
	s14 =	sadd.s32 $0x4, s12;
	p3 =	sgt.s32 s18, $0x7FF  }
0x18: {  	s20 =	smov.u32 @p3 s14  }
0x19: {  	s17 =	simm.s32 @p2 $0x0;
	p2 =	sgt.s32 s20, $0x3  }
0x1a: {  	p1 =	slt.u32 s13, $0x2;
	s20 =	smov.u32 @p2 s5;
	p2 =	sne.s32 s13, s8  }
.Ltmp1:
0x1b: {  	s19 =	simm.s32 @!p1 $0x2;
	(pc) =	sbr.rel @!p2 .LBB1_6-.Ltmp1, $4  }
0x1c: {  	s15 =	smov.u32 s11;
	s16 =	smov.u32 s12;
	_ =	swait.ge @!p1 [sflag:s19], $0x2000  }
0x1d: {  	p0 =	por !p0, !p0;
	[sflag:s19] =	ssyncset.done @!p1 $0x0;
	s18 =	smov.u32 @p3 s2  }
0x1e: {  	s14 =	smov.u32 s10;
	[sflag:s19] =	ssyncadd.s32 @!p1 $0xFFFFE000;
	s10 =	smov.u32 s17  }
0x1f: {  	s11 =	smov.u32 s18;
	s13 =	sadd.s32 $0x1, s13;
	s12 =	smov.u32 s20  }
.LBB1_1:
0x20: {  	p1 =	sge.u32 s13, s7;
	s31 =	sadd.s32 $0xFFFFFFFF, s13  }
0x21: {  	s17 =	sxor.u32 @!p1 $0xFFFFFFFF, s13;
	s18 =	sshll.u32 @!p1 s12, $0x13;
	s19 =	sshll.u32 @!p1 s11, $0x8  }
0x22: {  	s20 =	sshll.u32 @!p1 s10, $0x4;
	s17 =	sshll.u32 @!p1 s17, $0xD;
	s18 =	sadd.s32 @!p1 s3, s18  }
0x23: {  	s20 =	sand.u32 @!p1 $0xF0, s20;
	s17 =	sand.u32 @!p1 $0x2000, s17;
	s18 =	sadd.s32 @!p1 s19, s18  }
0x24: {  	s19 =	simm.s32 @!p1 $0x40;
	s18 =	sadd.s32 @!p1 s20, s18;
	s20 =	simm.s32 @!p1 $0x800  }
0x25: {  	[tilespmem:s17], [sflag:$0x1] =	stream.strided.gather @!p1 [hbm4b:s18+s19], $0x2000, s20, s19, $0x38;
	[tilespmem:$0x8080] =	vst v63  }
0x26: {  	p1 =	sge.u32 s31, s7  }
.Ltmp2:
0x27: {  	_ = 	snop;
	(pc) =	sbr.rel @p1 .LBB1_5-.Ltmp2, $1  }
0x28: {  	_ =	sdelay $0x3  }
0x29: {  	s17 =	simm.s32 $0x1  }
0x2a: {  	_ =	swait.ge [sflag:s6], $0x2000;
	s17 =	simm.s32 @!p0 $0x0  }
0x2b: {  	[sflag:s6] =	ssyncset.done $0x0;
	s18 =	sshll.u32 s17, $0xD  }
0x2c: {  	[sflag:s6] =	ssyncadd.s32 $0xFFFFE000;
	s21 =	sor.u32 $0x20, s18  }
0x2d: {  	s17 =	smul.u32 $0x8100, s17;
	v3 =	vld [tilespmem:s21+$0x10]  }
0x2e: {  	s30 =	sand.u32 $0x1, s13;
	v2 =	vld [tilespmem:s21+$0xFFFFFFF0]  }
0x2f: {  	s18 =	smul.u32 $0x8100, s30;
	s17 =	sshrl.u32 s17, $0x2;
	v0 =	vld [tilespmem:s21+$0x0]  }
0x30: {  	v1 =	vld [tilespmem:s21+$0xFFFFFFE0];
	s19 =	sor.u32 $0x4000, s17  }
0x31: {  	s31 =	sshrl.u32 s18, $0x2;
	s18 =	sadd.s32 $0x0, s19  }
0x32: {  	s20 =	simm.s32 $0x4;
	s21 =	sadd.s32 $0x40, s21;
	s17 =	sor.u32 $0x4000, s31;
	[tilespmem:s18+$0x1830 ss:$0x81] =	vst.msk $0xffff, v3  }
.LBB1_3:
0x33: {  	v3 =	vld [tilespmem:s21+$0x10];
	p1 =	sne.s32 s20, $0x1FC;
	[tilespmem:s18+$0x810 ss:$0x81] =	vst.msk $0xffff, v2;
	s22 =	smov.u32 s20;
	s20 =	sadd.s32 $0x4, s20  }
.Ltmp3:
0x34: {  	v2 =	vld [tilespmem:s21+$0xFFFFFFF0];
	[tilespmem:s18+$0x1020 ss:$0x81] =	vst.msk $0xffff, v0;
	(pc) =	sbr.rel @p1 .LBB1_3-.Ltmp3, $4  }
0x35: {  	v0 =	vld [tilespmem:s21+$0x0];
	[tilespmem:s18+$0x0 ss:$0x81] =	vst.msk $0xffff, v1  }
0x36: {  	s18 =	sshra.s32 s22, $0x2;
	v1 =	vld [tilespmem:s21+$0xFFFFFFE0]  }
0x37: {  	s18 =	sadd.s32 s18, s19  }
0x38: {  	s21 =	sadd.s32 $0x40, s21;
	[tilespmem:s18+$0x1830 ss:$0x81] =	vst.msk $0xffff, v3  }
.Ltmp4:
0x39: {  	_ = 	snop;
	(pc) =	sbr.rel .LBB1_4-.Ltmp4, $1  }
0x3a: {  	_ =	sdelay $0x3  }
.LBB1_6:
0x3b: {  	_ =	sfence.sel $0x180000  }
0x3c: {  	s2 =	simm.s32 $0x1;
	[bflag:$0x0] =	sbarrier.arrive $0xFFFF  }
0x3d: {  	s31 =	simm.s32 $0x2;
	[sflag:s2] =	ssyncpa.u1 $0x1  }
0x3e: {  	[sflag:s31] =	ssyncpa.u1 $0x1  }
0x3f: {  	p0 =	sne.s32 s0, $0x0;
	_ =	strace $0x90000059  }
0x40: {  	s0 =	sadd.s32 @!p0 $0x100000, s1;
	[bflag:$0x2] =	sbarrier.arrive $0xFFFF  }
0x41: {  	[sflag:s0] =	ssyncadd.tile.s32 @!p0 $0x1;
	_ =	shalt  }
.Lfunc_end1:
_tile_overlayer_lowered:
.L_overlay_start_2:
0x42: {  	(tag) =	ssettag $0x2  }
0x43: {  	s0 =	rddreg [dreg:$0x0];
	s2 =	stileid.u32  }
0x44: {  	s1 =	rddreg [dreg:$0x1];
	p0 =	sne.s32 s2, $0x0  }
0x45: {  	s3 =	rddreg [dreg:$0x2];
	[bflag:$0x3] =	sbarrier.arrive $0xFFFF;
	s2 =	simm.s32 @!p0 $0x1C01  }
0x46: {  	[timem:s3], [sflag:s2] =	dma.local @!p0 [hbm:s0], s1  }
0x47: {  	s0 =	simm.s32 @!p0 $0x1  }
0x48: {  	_ =	swait.ge @!p0 [sflag:s0], s1  }
0x49: {  	s1 =	ssub.s32 @!p0 $0x0, s1;
	[sflag:s0] =	ssyncset.done @!p0 $0x0  }
0x4a: {  	[sflag:s0] =	ssyncadd.s32 @!p0 s1  }
0x4b: {  	[bflag:$0x3] =	sbarrier.arrive $0xFFFF  }
0x4c: {  	_ =	shalt  }

// kernel: sparse-core-data-format-call.7.cloned.1.call-start
scs
called_computation.7_lowered:
.L_overlay_start_0:
0x0: {  	s1 =	sld [smem:$0x3FD9]  }
0x1: {  	s2 =	sld [smem:$0x3FFE];
	_ =	sdelay $0x1  }
0x2: {  	s3 =	srdreg.scid  }
0x3: {  	s0 =	sand.u32 $0x1, s3  }
0x4: {  	s17 =	sshll.u32 s0, $0xA;
	s1 =	sadd.s32 s2, s1  }
0x5: {  	s1 =	sadd.s32 s1, s17  }
0x6: {  	[smem:$0x3FB1] =	sst s1  }
0x7: {  	_ = 	snop  }
0x8: {  	(tm) =	ssettm $0x1  }
0x9: {  	s18 =	sld [smem:$0x3FFB];
	_ =	sdelay $0x3  }
0xa: {  	_ =	strace s18  }
0xb: {  	s1 =	sld [smem:$0x3FFC];
	_ =	sdelay $0x3  }
0xc: {  	_ =	strace s1  }
0xd: {  	s1 =	sld [smem:$0x3FFD];
	_ =	sdelay $0x3  }
0xe: {  	_ =	strace s1  }
0xf: {  	_ =	strace $0x8FFFFFFF  }
0x10: {  	s19 =	sld [smem:$0x3FDB];
	_ =	sdelay $0x1  }
0x11: {  	s20 =	simm.s32 $_scs_section_size  }
0x12: {  	s4 =	simm.s32 $_size__tile_overlayer_lowered;
	s5 =	simm.s32 $_tile_overlayer_lowered  }
0x13: {  	s23 =	simm.s32 $0x1BFF;
	s22 =	sshll.u32 s5, $0x1;
	s1 =	sadd.s32 s20, s19  }
0x14: {  	s6 =	simm.s32 $0x0;
	s21 =	sshll.u32 s4, $0x1;
	s4 =	sadd.s32 s22, s1  }
0x15: {  	[timem:s6], [sflag:s23] =	dma.local [hbm:s4], s21  }
0x16: {  	_ =	swait.ge [sflag:s23], s21  }
0x17: {  	s2 =	ssub.s32 $0x0, s21;
	[sflag:s23] =	ssyncset.done $0x0  }
0x18: {  	[sflag:s23] =	ssyncadd.s32 s2;
	_ =	sdelay $0x1  }
0x19: {  	s24 =	simm.s32 $0x1B8B  }
0x1a: {  	_ =	swait.ge [sflag:s24], $0x1  }
0x1b: {  	[sflag:s24] =	ssyncset.done $0x0  }
0x1c: {  	s26 =	simm.s32 $0x1B8E;
	s25 =	sld [smem:$0x3FFE];
	[sflag:s24] =	ssyncadd.s32 $0xFFFFFFFF  }
0x1d: {  	s27 =	simm.s32 $execute0_lowered;
	[smem:$0x3FD2] =	sst s26  }
0x1e: {  	s4 =	sshll.u32 s27, $0x1;
	_ =	strace $0x80000055;
	[dreg:$0x1] =	wrdreg $0xFFFFFFFF  }
0x1f: {  	s28 =	simm.s32 $_size_execute0_lowered;
	s1 =	sadd.s32 s1, s4;
	[dreg:$0x0] =	wrdreg $0x0  }
0x20: {  	s4 =	sshll.u32 s28, $0x1;
	[dreg:$0x2] =	wrdreg s1  }
0x21: {  	[dreg:$0x3] =	wrdreg s4  }
0x22: {  	[dreg:$0x4] =	wrdreg $0xC0  }
0x23: {  	_ =	task [dreg:s6], $0x5FFFF  }
0x24: {  	[dreg:$0x1] =	wrdreg $0xFFFFFFFF  }
0x25: {  	[dreg:$0x0] =	wrdreg $0x60  }
0x26: {  	[dreg:$0x2] =	wrdreg s25  }
0x27: {  	[dreg:$0x3] =	wrdreg $0x9  }
0x28: {  	_ =	task.clear_ibuf [dreg:s6], $0x4FFFF;
	_ =	strace $0x90000055  }
0x29: {  	s29 =	simm.s32 $0x9;
	_ =	strace $0x80000057  }
0x2a: {  	_ =	swait.ge [sflag:s29], $0x1  }
0x2b: {  	[sflag:s29] =	ssyncadd.s32 $0xFFFFFFFF  }
0x2c: {  	_ =	strace $0x90000057  }
0x2d: {  	_ =	sfence  }
0x2e: {  	s30 =	sld [smem:$0x0];
	_ =	sdelay $0x2  }
0x2f: {  	s31 =	sshll.u32 s3, $0xD;
	s3 =	sshrl.u32 s3, $0x2  }
0x30: {  	s2 =	sand.u32 $0x4000, s31;
	s1 =	sadd.s32 s3, s30  }
0x31: {  	s0 =	sor.u32 s2, s0;
	s1 =	sshll.u32 s1, $0x11  }
0x32: {  	s0 =	sor.u32 s1, s0  }
0x33: {  	s0 =	sadd.s32 $0x8F2B, s0  }
0x34: {  	[sflag:s0] =	ssyncadd.remote.s32 $0x1  }
0x35: {  	_ =	sfence.sel $0xFFFF  }
0x36: {  	[dreg:$0x0] =	wrdreg $0xFFFFFFFF;
	(pc) =	sbr.abs _section_cstart, $3  }
0x37: {  	[dreg:$0x1] =	wrdreg $0xFFFFFFFF  }
0x38: {  	_ =	task.clear_ibuf [dreg:s6], $0x2FFFF;
	_ =	strace $0x9FFFFFFF  }
0x39: {  	(tm) =	ssettm $0x7FFFFFFF  }
tec
execute0_lowered:
.L_overlay_start_1:
0x0: {  	(tag) =	ssettag $0x1  }
0x1: {  	s0 =	stileid.u32;
	s1 =	srdreg.scid  }
0x2: {  	s4 =	rddreg [dreg:$0x0];
	s7 =	simm.s32 $0x1;
	s31 =	simm.s32 $0x2  }
0x3: {  	s16 =	simm.s32 $0x0;
	s2 =	sshll.u32 s0, $0x5;
	s1 =	sshll.u32 s1, $0x9  }
0x4: {  	s9 =	simm.s32 $0x4000;
	s14 =	simm.s32 $0x0;
	s1 =	sor.u32 s2, s1  }
0x5: {  	s15 =	simm.s32 $0x0;
	s10 =	simm.s32 $0x0;
	s2 =	sand.u32 $0x380, s1  }
0x6: {  	s13 =	simm.s32 $0x0;
	s3 =	sadd.s32 $0x240000, s4;
	s5 =	ssub.s32 $0x800, s2  }
0x7: {  	s4 =	sadd.s32 $0x511C00, s4;
	s1 =	rddreg [dreg:$0x1];
	s6 =	sand.u32 $0x380, s5  }
.Ltmp0:
0x8: {  	_ =	strace $0x80000056;
	p0 =	sne.s32 s6, $0x0;
	(pc) =	sbr.rel .LBB1_1-.Ltmp0, $4  }
0x9: {  	s11 =	smov.u32 s2;
	s8 =	sshrl.u32 s5, $0xA;
	s7 =	simm.s32 @!p0 $0x0  }
0xa: {  	s5 =	sand.u32 $0x3, s0;
	s6 =	simm.s32 $0x1;
	s7 =	sadd.s32 s7, s8  }
0xb: {  	s12 =	smov.u32 s5;
	[sflag:s6] =	ssyncpa.u1 $0x0;
	s7 =	sshll.u32 s7, $0x4  }
0xc: {  	p0 =	por $0x0, $0x0;
	[sflag:s31] =	ssyncpa.u1 $0x0;
	s8 =	sor.u32 $0x1, s7  }
.LBB1_4:
0xd: {  	v5 =	vld [tilespmem:s19+$0xFFFFFFD0]  }
0xe: {  	[tilespmem:s20+$0x2040 ss:$0x81] =	vst.msk $0xffff, v1;
	v58 =	vld [tilespmem:s19+$0xFFFFFFE0]  }
0xf: {  	[tilespmem:s20+$0x2850 ss:$0x81] =	vst.msk $0xffff, v2;
	v59 =	vld [tilespmem:s19+$0xFFFFFFF0]  }
0x10: {  	s21 =	sshra.s32 s21, $0x2;
	[tilespmem:s20+$0x3060 ss:$0x81] =	vst.msk $0xffff, v3;
	v60 =	vld [tilespmem:s19+$0x0]  }
0x11: {  	[tilespmem:s20+$0x0 ss:$0x81] =	vst.msk $0xffff, v0;
	v61 =	vld [tilespmem:s19+$0x10];
	s18 =	sadd.s32 s21, s18  }
0x12: {  	s26 =	sshll.u32 s16, $0xB;
	v62 =	vld [tilespmem:s19+$0x20];
	[tilespmem:s18+$0x3870 ss:$0x81] =	vst.msk $0xffff, v4  }
0x13: {  	s27 =	sand.u32 $0x78, s14;
	s22 =	sshll.u32 s14, $0x3;
	v63 =	vld [tilespmem:s19+$0xFFFFFFC0];
	s29 =	sshll.u32 s16, $0x7;
	[tilespmem:s18+$0x810 ss:$0x81] =	vst.msk $0xffff, v5  }
0x14: {  	s15 =	sshll.u32 s15, $0x13;
	s20 =	sand.u32 $0x3FC000, s26;
	s28 =	sand.u32 $0x3FFC00, s22;
	[tilespmem:s18+$0x1020 ss:$0x81] =	vst.msk $0xffff, v58  }
0x15: {  	s31 =	sand.u32 $0x7, s14;
	s22 =	sand.u32 $0x400, s22;
	s19 =	sadd.s32 s28, s20;
	[tilespmem:s18+$0x1830 ss:$0x81] =	vst.msk $0xffff, v59  }
0x16: {  	s16 =	sand.u32 $0x380, s29;
	s30 =	sor.u32 s27, s22;
	s19 =	sshrl.u32 s19, $0x3;
	[tilespmem:s18+$0x2040 ss:$0x81] =	vst.msk $0xffff, v60  }
0x17: {  	s15 =	sadd.s32 s4, s15;
	s16 =	sor.u32 s16, s30;
	s19 =	sand.u32 $0x7FF00, s19;
	[tilespmem:s18+$0x2850 ss:$0x81] =	vst.msk $0xffff, v61  }
0x18: {  	s14 =	sshll.u32 s31, $0x12;
	s16 =	sshrl.u32 s16, $0x3;
	[tilespmem:s18+$0x3060 ss:$0x81] =	vst.msk $0xffff, v62;
	s15 =	sadd.s32 s19, s15  }
0x19: {  	s14 =	sor.u32 $0x400, s14;
	[tilespmem:s18+$0x0 ss:$0x81] =	vst.msk $0xffff, v63;
	s15 =	sadd.s32 s16, s15  }
0x1a: {  	[hbm4b:s15+s14] =	stream.strided.scatter [tilespmem:s17], [sflag:$0x2], $0x4000, s9, s14, $0x20;
	[tilespmem:$0x10100] =	vst v63  }
.LBB1_5:
0x1b: {  	s17 =	sadd.s32 $0x80, s10  }
0x1c: {  	s14 =	sadd.s32 $0x400, s11;
	s18 =	smov.u32 s11;
	p2 =	sgt.s32 s17, $0x7FF  }
0x1d: {  	s18 =	smov.u32 @p2 s14  }
0x1e: {  	s20 =	smov.u32 s12;
	s14 =	sadd.s32 $0x4, s12;
	p3 =	sgt.s32 s18, $0x7FF  }
0x1f: {  	s20 =	smov.u32 @p3 s14  }
0x20: {  	s17 =	simm.s32 @p2 $0x0;
	p2 =	sgt.s32 s20, $0x3  }
0x21: {  	p1 =	slt.u32 s13, $0x2;
	s20 =	smov.u32 @p2 s5;
	p2 =	sne.s32 s13, s8  }
.Ltmp1:
0x22: {  	s19 =	simm.s32 @!p1 $0x2;
	(pc) =	sbr.rel @!p2 .LBB1_6-.Ltmp1, $4  }
0x23: {  	s16 =	smov.u32 s10;
	s15 =	smov.u32 s12;
	_ =	swait.ge @!p1 [sflag:s19], $0x4000  }
0x24: {  	p0 =	por !p0, !p0;
	[sflag:s19] =	ssyncset.done @!p1 $0x0;
	s10 =	smov.u32 s17  }
0x25: {  	s18 =	smov.u32 @p3 s2;
	s14 =	smov.u32 s11;
	[sflag:s19] =	ssyncadd.s32 @!p1 $0xFFFFC000  }
0x26: {  	s11 =	smov.u32 s18;
	s13 =	sadd.s32 $0x1, s13;
	s12 =	smov.u32 s20  }
.LBB1_1:
0x27: {  	p1 =	sge.u32 s13, s7;
	s31 =	sadd.s32 $0xFFFFFFFF, s13  }
0x28: {  	s17 =	sxor.u32 @!p1 $0xFFFFFFFF, s13;
	s18 =	sand.u32 @!p1 $0x78, s10;
	s19 =	sshll.u32 @!p1 s11, $0xB  }
0x29: {  	s20 =	sshll.u32 @!p1 s11, $0x7;
	s21 =	sshll.u32 @!p1 s10, $0x3;
	s17 =	sshll.u32 @!p1 s17, $0xE  }
0x2a: {  	s19 =	sand.u32 @!p1 $0x3FC000, s19;
	s20 =	sand.u32 @!p1 $0x380, s20;
	s17 =	sand.u32 @!p1 $0x4000, s17  }
0x2b: {  	s19 =	sadd.s32 @!p1 s19, s21;
	s21 =	sand.u32 @!p1 $0x400, s21;
	s18 =	sor.u32 @!p1 s20, s18  }
0x2c: {  	s20 =	sshll.u32 @!p1 s12, $0x13;
	s18 =	sor.u32 @!p1 s21, s18;
	s19 =	sshrl.u32 @!p1 s19, $0x3  }
0x2d: {  	s20 =	sadd.s32 @!p1 s3, s20;
	s21 =	sand.u32 @!p1 $0x7, s10;
	s19 =	sand.u32 @!p1 $0x7FF00, s19  }
0x2e: {  	s18 =	sshrl.u32 @!p1 s18, $0x3;
	s19 =	sadd.s32 @!p1 s19, s20;
	s20 =	sshll.u32 @!p1 s21, $0x12  }
0x2f: {  	s18 =	sadd.s32 @!p1 s18, s19;
	s19 =	sor.u32 @!p1 $0x400, s20;
	s20 =	simm.s32 @!p1 $0x4000  }
0x30: {  	[tilespmem:s17], [sflag:$0x1] =	stream.strided.gather @!p1 [hbm4b:s18+s19], $0x4000, s20, s19, $0x38;
	[tilespmem:$0x10100] =	vst v63  }
0x31: {  	p1 =	sge.u32 s31, s7  }
.Ltmp2:
0x32: {  	_ = 	snop;
	(pc) =	sbr.rel @p1 .LBB1_5-.Ltmp2, $1  }
0x33: {  	_ =	sdelay $0x3  }
0x34: {  	s17 =	simm.s32 $0x1  }
0x35: {  	_ =	swait.ge [sflag:s6], $0x4000;
	s17 =	simm.s32 @!p0 $0x0  }
0x36: {  	[sflag:s6] =	ssyncset.done $0x0;
	s18 =	sshll.u32 s17, $0xE  }
0x37: {  	[sflag:s6] =	ssyncadd.s32 $0xFFFFC000;
	s19 =	sor.u32 $0x40, s18  }
0x38: {  	s17 =	smul.u32 $0x10200, s17;
	v0 =	vld [tilespmem:s19+$0x30]  }
0x39: {  	v3 =	vld [tilespmem:s19+$0xFFFFFFD0]  }
0x3a: {  	s17 =	sshrl.u32 s17, $0x2;
	v4 =	vld [tilespmem:s19+$0xFFFFFFE0]  }
0x3b: {  	v5 =	vld [tilespmem:s19+$0xFFFFFFF0];
	s18 =	sor.u32 $0x8000, s17  }
0x3c: {  	s31 =	sand.u32 $0x1, s13;
	v1 =	vld [tilespmem:s19+$0x0];
	s20 =	sadd.s32 $0x0, s18  }
0x3d: {  	v2 =	vld [tilespmem:s19+$0x10];
	s17 =	smul.u32 $0x10200, s31;
	[tilespmem:s20+$0x3870 ss:$0x81] =	vst.msk $0xffff, v0  }
0x3e: {  	[tilespmem:s20+$0x810 ss:$0x81] =	vst.msk $0xffff, v3;
	v3 =	vld [tilespmem:s19+$0x20]  }
0x3f: {  	s17 =	sshrl.u32 s17, $0x2;
	v0 =	vld [tilespmem:s19+$0xFFFFFFC0];
	[tilespmem:s20+$0x1020 ss:$0x81] =	vst.msk $0xffff, v4;
	s19 =	sadd.s32 $0x80, s19  }
0x40: {  	s21 =	simm.s32 $0x4;
	s22 =	simm.s32 $0x8;
	s17 =	sor.u32 $0x8000, s17;
	[tilespmem:s20+$0x1830 ss:$0x81] =	vst.msk $0xffff, v5;
	v4 =	vld [tilespmem:s19+$0x30]  }
.LBB1_3:
0x41: {  	p1 =	sne.s32 s22, $0x1FC;
	v5 =	vld [tilespmem:s19+$0xFFFFFFD0];
	[tilespmem:s20+$0x2040 ss:$0x81] =	vst.msk $0xffff, v1  }
0x42: {  	v6 =	vld [tilespmem:s19+$0xFFFFFFE0];
	[tilespmem:s20+$0x2850 ss:$0x81] =	vst.msk $0xffff, v2  }
0x43: {  	s23 =	sshra.s32 s21, $0x2;
	s21 =	smov.u32 s22;
	v7 =	vld [tilespmem:s19+$0xFFFFFFF0];
	[tilespmem:s20+$0x3060 ss:$0x81] =	vst.msk $0xffff, v3  }
.Ltmp3:
0x44: {  	v1 =	vld [tilespmem:s19+$0x0];
	[tilespmem:s20+$0x0 ss:$0x81] =	vst.msk $0xffff, v0;
	s20 =	sadd.s32 s23, s18;
	(pc) =	sbr.rel @p1 .LBB1_3-.Ltmp3, $4  }
0x45: {  	v2 =	vld [tilespmem:s19+$0x10];
	[tilespmem:s20+$0x3870 ss:$0x81] =	vst.msk $0xffff, v4  }
0x46: {  	[tilespmem:s20+$0x810 ss:$0x81] =	vst.msk $0xffff, v5;
	v3 =	vld [tilespmem:s19+$0x20]  }
0x47: {  	v0 =	vld [tilespmem:s19+$0xFFFFFFC0];
	[tilespmem:s20+$0x1020 ss:$0x81] =	vst.msk $0xffff, v6;
	s19 =	sadd.s32 $0x80, s19  }
0x48: {  	s22 =	sadd.s32 $0x4, s22;
	v4 =	vld [tilespmem:s19+$0x30];
	[tilespmem:s20+$0x1830 ss:$0x81] =	vst.msk $0xffff, v7  }
.Ltmp4:
0x49: {  	_ = 	snop;
	(pc) =	sbr.rel .LBB1_4-.Ltmp4, $1  }
0x4a: {  	_ =	sdelay $0x3  }
.LBB1_6:
0x4b: {  	_ =	sfence.sel $0x180000  }
0x4c: {  	s2 =	simm.s32 $0x1;
	[bflag:$0x0] =	sbarrier.arrive $0xFFFF  }
0x4d: {  	s31 =	simm.s32 $0x2;
	[sflag:s2] =	ssyncpa.u1 $0x1  }
0x4e: {  	[sflag:s31] =	ssyncpa.u1 $0x1  }
0x4f: {  	p0 =	sne.s32 s0, $0x0;
	_ =	strace $0x90000056  }
0x50: {  	s0 =	sadd.s32 @!p0 $0x100000, s1;
	[bflag:$0x2] =	sbarrier.arrive $0xFFFF  }
0x51: {  	[sflag:s0] =	ssyncadd.tile.s32 @!p0 $0x1;
	_ =	shalt  }
.Lfunc_end1:
_tile_overlayer_lowered:
.L_overlay_start_2:
0x52: {  	(tag) =	ssettag $0x2  }
0x53: {  	s0 =	rddreg [dreg:$0x0];
	s2 =	stileid.u32  }
0x54: {  	s1 =	rddreg [dreg:$0x1];
	p0 =	sne.s32 s2, $0x0  }
0x55: {  	s3 =	rddreg [dreg:$0x2];
	[bflag:$0x3] =	sbarrier.arrive $0xFFFF;
	s2 =	simm.s32 @!p0 $0x1C01  }
0x56: {  	[timem:s3], [sflag:s2] =	dma.local @!p0 [hbm:s0], s1  }
0x57: {  	s0 =	simm.s32 @!p0 $0x1  }
0x58: {  	_ =	swait.ge @!p0 [sflag:s0], s1  }
0x59: {  	s1 =	ssub.s32 @!p0 $0x0, s1;
	[sflag:s0] =	ssyncset.done @!p0 $0x0  }
0x5a: {  	[sflag:s0] =	ssyncadd.s32 @!p0 s1  }
0x5b: {  	[bflag:$0x3] =	sbarrier.arrive $0xFFFF  }
0x5c: {  	_ =	shalt  }

// kernel: sparse-core-data-format-call.8.cloned.1.call-start
scs
called_computation.8_lowered:
.L_overlay_start_0:
0x0: {  	s1 =	sld [smem:$0x3FD9]  }
0x1: {  	s2 =	sld [smem:$0x3FFE];
	_ =	sdelay $0x1  }
0x2: {  	s3 =	srdreg.scid  }
0x3: {  	s0 =	sand.u32 $0x1, s3  }
0x4: {  	s17 =	sshll.u32 s0, $0xA;
	s1 =	sadd.s32 s2, s1  }
0x5: {  	s1 =	sadd.s32 s1, s17  }
0x6: {  	[smem:$0x3FB1] =	sst s1  }
0x7: {  	_ = 	snop  }
0x8: {  	(tm) =	ssettm $0x1  }
0x9: {  	s18 =	sld [smem:$0x3FFB];
	_ =	sdelay $0x3  }
0xa: {  	_ =	strace s18  }
0xb: {  	s1 =	sld [smem:$0x3FFC];
	_ =	sdelay $0x3  }
0xc: {  	_ =	strace s1  }
0xd: {  	s1 =	sld [smem:$0x3FFD];
	_ =	sdelay $0x3  }
0xe: {  	_ =	strace s1  }
0xf: {  	_ =	strace $0x8FFFFFFF  }
0x10: {  	s19 =	sld [smem:$0x3FDB];
	_ =	sdelay $0x1  }
0x11: {  	s20 =	simm.s32 $_scs_section_size  }
0x12: {  	s4 =	simm.s32 $_size__tile_overlayer_lowered;
	s5 =	simm.s32 $_tile_overlayer_lowered  }
0x13: {  	s23 =	simm.s32 $0x1BFF;
	s22 =	sshll.u32 s5, $0x1;
	s1 =	sadd.s32 s20, s19  }
0x14: {  	s6 =	simm.s32 $0x0;
	s21 =	sshll.u32 s4, $0x1;
	s4 =	sadd.s32 s22, s1  }
0x15: {  	[timem:s6], [sflag:s23] =	dma.local [hbm:s4], s21  }
0x16: {  	_ =	swait.ge [sflag:s23], s21  }
0x17: {  	s2 =	ssub.s32 $0x0, s21;
	[sflag:s23] =	ssyncset.done $0x0  }
0x18: {  	[sflag:s23] =	ssyncadd.s32 s2;
	_ =	sdelay $0x1  }
0x19: {  	s24 =	simm.s32 $0x1B8B  }
0x1a: {  	_ =	swait.ge [sflag:s24], $0x1  }
0x1b: {  	[sflag:s24] =	ssyncset.done $0x0  }
0x1c: {  	s26 =	simm.s32 $0x1B8E;
	s25 =	sld [smem:$0x3FFE];
	[sflag:s24] =	ssyncadd.s32 $0xFFFFFFFF  }
0x1d: {  	s27 =	simm.s32 $execute0_lowered;
	[smem:$0x3FD2] =	sst s26  }
0x1e: {  	s4 =	sshll.u32 s27, $0x1;
	_ =	strace $0x80000052;
	[dreg:$0x1] =	wrdreg $0xFFFFFFFF  }
0x1f: {  	s28 =	simm.s32 $_size_execute0_lowered;
	s1 =	sadd.s32 s1, s4;
	[dreg:$0x0] =	wrdreg $0x0  }
0x20: {  	s4 =	sshll.u32 s28, $0x1;
	[dreg:$0x2] =	wrdreg s1  }
0x21: {  	[dreg:$0x3] =	wrdreg s4  }
0x22: {  	[dreg:$0x4] =	wrdreg $0xC0  }
0x23: {  	_ =	task [dreg:s6], $0x5FFFF  }
0x24: {  	[dreg:$0x1] =	wrdreg $0xFFFFFFFF  }
0x25: {  	[dreg:$0x0] =	wrdreg $0x60  }
0x26: {  	[dreg:$0x2] =	wrdreg s25  }
0x27: {  	[dreg:$0x3] =	wrdreg $0x9  }
0x28: {  	_ =	task.clear_ibuf [dreg:s6], $0x4FFFF;
	_ =	strace $0x90000052  }
0x29: {  	s29 =	simm.s32 $0x9;
	_ =	strace $0x80000054  }
0x2a: {  	_ =	swait.ge [sflag:s29], $0x1  }
0x2b: {  	[sflag:s29] =	ssyncadd.s32 $0xFFFFFFFF  }
0x2c: {  	_ =	strace $0x90000054  }
0x2d: {  	_ =	sfence  }
0x2e: {  	s30 =	sld [smem:$0x0];
	_ =	sdelay $0x2  }
0x2f: {  	s31 =	sshll.u32 s3, $0xD;
	s3 =	sshrl.u32 s3, $0x2  }
0x30: {  	s2 =	sand.u32 $0x4000, s31;
	s1 =	sadd.s32 s3, s30  }
0x31: {  	s0 =	sor.u32 s2, s0;
	s1 =	sshll.u32 s1, $0x11  }
0x32: {  	s0 =	sor.u32 s1, s0  }
0x33: {  	s0 =	sadd.s32 $0x8F2B, s0  }
0x34: {  	[sflag:s0] =	ssyncadd.remote.s32 $0x1  }
0x35: {  	_ =	sfence.sel $0xFFFF  }
0x36: {  	[dreg:$0x0] =	wrdreg $0xFFFFFFFF;
	(pc) =	sbr.abs _section_cstart, $3  }
0x37: {  	[dreg:$0x1] =	wrdreg $0xFFFFFFFF  }
0x38: {  	_ =	task.clear_ibuf [dreg:s6], $0x2FFFF;
	_ =	strace $0x9FFFFFFF  }
0x39: {  	(tm) =	ssettm $0x7FFFFFFF  }
tec
execute0_lowered:
.L_overlay_start_1:
0x0: {  	(tag) =	ssettag $0x1  }
0x1: {  	s0 =	stileid.u32;
	s1 =	srdreg.scid  }
0x2: {  	s4 =	rddreg [dreg:$0x0];
	s7 =	simm.s32 $0x1;
	s31 =	simm.s32 $0x2  }
0x3: {  	s14 =	simm.s32 $0x0;
	s2 =	sshll.u32 s0, $0x5;
	s1 =	sshll.u32 s1, $0x9  }
0x4: {  	s9 =	simm.s32 $0x4000;
	s15 =	simm.s32 $0x0;
	s1 =	sor.u32 s2, s1  }
0x5: {  	s16 =	simm.s32 $0x0;
	s10 =	simm.s32 $0x0;
	s2 =	sand.u32 $0x380, s1  }
0x6: {  	s13 =	simm.s32 $0x0;
	s3 =	sadd.s32 $0x230000, s4;
	s5 =	ssub.s32 $0x800, s2  }
0x7: {  	s4 =	sadd.s32 $0x511C00, s4;
	s1 =	rddreg [dreg:$0x1];
	s6 =	sand.u32 $0x380, s5  }
.Ltmp0:
0x8: {  	_ =	strace $0x80000053;
	p0 =	sne.s32 s6, $0x0;
	(pc) =	sbr.rel .LBB1_1-.Ltmp0, $4  }
0x9: {  	s11 =	smov.u32 s2;
	s8 =	sshrl.u32 s5, $0xA;
	s7 =	simm.s32 @!p0 $0x0  }
0xa: {  	s5 =	sand.u32 $0x3, s0;
	s6 =	simm.s32 $0x1;
	s7 =	sadd.s32 s7, s8  }
0xb: {  	s12 =	smov.u32 s5;
	[sflag:s6] =	ssyncpa.u1 $0x0;
	s7 =	sshll.u32 s7, $0x4  }
0xc: {  	p0 =	por $0x0, $0x0;
	[sflag:s31] =	ssyncpa.u1 $0x0;
	s8 =	sor.u32 $0x1, s7  }
.LBB1_4:
0xd: {  	s19 =	sshll.u32 s15, $0x3  }
0xe: {  	s20 =	sand.u32 $0x78, s15;
	s16 =	sshll.u32 s16, $0x12;
	s30 =	sand.u32 $0x3F00, s15  }
0xf: {  	s14 =	sshll.u32 s14, $0xE;
	s19 =	sand.u32 $0x400, s19;
	s16 =	sadd.s32 s4, s16  }
0x10: {  	[tilespmem:s18+$0x810 ss:$0x81] =	vst.msk $0xffff, v2;
	s31 =	sand.u32 $0x7, s15;
	s19 =	sor.u32 s20, s19;
	s16 =	sadd.s32 s30, s16  }
0x11: {  	[tilespmem:s18+$0x1020 ss:$0x81] =	vst.msk $0xffff, v0;
	s15 =	sshll.u32 s31, $0x12;
	s19 =	sshrl.u32 s19, $0x3;
	s14 =	sadd.s32 s14, s16  }
0x12: {  	[tilespmem:s18+$0x0 ss:$0x81] =	vst.msk $0xffff, v1;
	s15 =	sor.u32 $0x400, s15;
	s14 =	sadd.s32 s19, s14  }
0x13: {  	[hbm4b:s14+s15] =	stream.strided.scatter [tilespmem:s17], [sflag:$0x2], $0x2000, s9, s15, $0x20;
	[tilespmem:$0x8080] =	vst v63  }
.LBB1_5:
0x14: {  	s17 =	sadd.s32 $0x1, s10  }
0x15: {  	s14 =	sadd.s32 $0x400, s11;
	s18 =	smov.u32 s11;
	p2 =	sgt.s32 s17, $0xF  }
0x16: {  	s18 =	smov.u32 @p2 s14  }
0x17: {  	s20 =	smov.u32 s12;
	s14 =	sadd.s32 $0x4, s12;
	p3 =	sgt.s32 s18, $0x7FF  }
0x18: {  	s20 =	smov.u32 @p3 s14  }
0x19: {  	s17 =	simm.s32 @p2 $0x0;
	p2 =	sgt.s32 s20, $0x3  }
0x1a: {  	p1 =	slt.u32 s13, $0x2;
	s20 =	smov.u32 @p2 s5;
	p2 =	sne.s32 s13, s8  }
.Ltmp1:
0x1b: {  	s19 =	simm.s32 @!p1 $0x2;
	(pc) =	sbr.rel @!p2 .LBB1_6-.Ltmp1, $4  }
0x1c: {  	s15 =	smov.u32 s11;
	s16 =	smov.u32 s12;
	_ =	swait.ge @!p1 [sflag:s19], $0x2000  }
0x1d: {  	p0 =	por !p0, !p0;
	[sflag:s19] =	ssyncset.done @!p1 $0x0;
	s18 =	smov.u32 @p3 s2  }
0x1e: {  	s14 =	smov.u32 s10;
	[sflag:s19] =	ssyncadd.s32 @!p1 $0xFFFFE000;
	s10 =	smov.u32 s17  }
0x1f: {  	s11 =	smov.u32 s18;
	s13 =	sadd.s32 $0x1, s13;
	s12 =	smov.u32 s20  }
.LBB1_1:
0x20: {  	p1 =	sge.u32 s13, s7;
	s31 =	sadd.s32 $0xFFFFFFFF, s13  }
0x21: {  	s17 =	sxor.u32 @!p1 $0xFFFFFFFF, s13;
	s18 =	sshll.u32 @!p1 s12, $0x13;
	s19 =	sshll.u32 @!p1 s11, $0x8  }
0x22: {  	s20 =	sshll.u32 @!p1 s10, $0x4;
	s17 =	sshll.u32 @!p1 s17, $0xD;
	s18 =	sadd.s32 @!p1 s3, s18  }
0x23: {  	s20 =	sand.u32 @!p1 $0xF0, s20;
	s17 =	sand.u32 @!p1 $0x2000, s17;
	s18 =	sadd.s32 @!p1 s19, s18  }
0x24: {  	s19 =	simm.s32 @!p1 $0x40;
	s18 =	sadd.s32 @!p1 s20, s18;
	s20 =	simm.s32 @!p1 $0x800  }
0x25: {  	[tilespmem:s17], [sflag:$0x1] =	stream.strided.gather @!p1 [hbm4b:s18+s19], $0x2000, s20, s19, $0x38;
	[tilespmem:$0x8080] =	vst v63  }
0x26: {  	p1 =	sge.u32 s31, s7  }
.Ltmp2:
0x27: {  	_ = 	snop;
	(pc) =	sbr.rel @p1 .LBB1_5-.Ltmp2, $1  }
0x28: {  	_ =	sdelay $0x3  }
0x29: {  	s17 =	simm.s32 $0x1  }
0x2a: {  	_ =	swait.ge [sflag:s6], $0x2000;
	s17 =	simm.s32 @!p0 $0x0  }
0x2b: {  	[sflag:s6] =	ssyncset.done $0x0;
	s18 =	sshll.u32 s17, $0xD  }
0x2c: {  	[sflag:s6] =	ssyncadd.s32 $0xFFFFE000;
	s21 =	sor.u32 $0x20, s18  }
0x2d: {  	s17 =	smul.u32 $0x8100, s17;
	v3 =	vld [tilespmem:s21+$0x10]  }
0x2e: {  	s30 =	sand.u32 $0x1, s13;
	v2 =	vld [tilespmem:s21+$0xFFFFFFF0]  }
0x2f: {  	s18 =	smul.u32 $0x8100, s30;
	s17 =	sshrl.u32 s17, $0x2;
	v0 =	vld [tilespmem:s21+$0x0]  }
0x30: {  	v1 =	vld [tilespmem:s21+$0xFFFFFFE0];
	s19 =	sor.u32 $0x4000, s17  }
0x31: {  	s31 =	sshrl.u32 s18, $0x2;
	s18 =	sadd.s32 $0x0, s19  }
0x32: {  	s20 =	simm.s32 $0x4;
	s21 =	sadd.s32 $0x40, s21;
	s17 =	sor.u32 $0x4000, s31;
	[tilespmem:s18+$0x1830 ss:$0x81] =	vst.msk $0xffff, v3  }
.LBB1_3:
0x33: {  	v3 =	vld [tilespmem:s21+$0x10];
	p1 =	sne.s32 s20, $0x1FC;
	[tilespmem:s18+$0x810 ss:$0x81] =	vst.msk $0xffff, v2;
	s22 =	smov.u32 s20;
	s20 =	sadd.s32 $0x4, s20  }
.Ltmp3:
0x34: {  	v2 =	vld [tilespmem:s21+$0xFFFFFFF0];
	[tilespmem:s18+$0x1020 ss:$0x81] =	vst.msk $0xffff, v0;
	(pc) =	sbr.rel @p1 .LBB1_3-.Ltmp3, $4  }
0x35: {  	v0 =	vld [tilespmem:s21+$0x0];
	[tilespmem:s18+$0x0 ss:$0x81] =	vst.msk $0xffff, v1  }
0x36: {  	s18 =	sshra.s32 s22, $0x2;
	v1 =	vld [tilespmem:s21+$0xFFFFFFE0]  }
0x37: {  	s18 =	sadd.s32 s18, s19  }
0x38: {  	s21 =	sadd.s32 $0x40, s21;
	[tilespmem:s18+$0x1830 ss:$0x81] =	vst.msk $0xffff, v3  }
.Ltmp4:
0x39: {  	_ = 	snop;
	(pc) =	sbr.rel .LBB1_4-.Ltmp4, $1  }
0x3a: {  	_ =	sdelay $0x3  }
.LBB1_6:
0x3b: {  	_ =	sfence.sel $0x180000  }
0x3c: {  	s2 =	simm.s32 $0x1;
	[bflag:$0x0] =	sbarrier.arrive $0xFFFF  }
0x3d: {  	s31 =	simm.s32 $0x2;
	[sflag:s2] =	ssyncpa.u1 $0x1  }
0x3e: {  	[sflag:s31] =	ssyncpa.u1 $0x1  }
0x3f: {  	p0 =	sne.s32 s0, $0x0;
	_ =	strace $0x90000053  }
0x40: {  	s0 =	sadd.s32 @!p0 $0x100000, s1;
	[bflag:$0x2] =	sbarrier.arrive $0xFFFF  }
0x41: {  	[sflag:s0] =	ssyncadd.tile.s32 @!p0 $0x1;
	_ =	shalt  }
.Lfunc_end1:
_tile_overlayer_lowered:
.L_overlay_start_2:
0x42: {  	(tag) =	ssettag $0x2  }
0x43: {  	s0 =	rddreg [dreg:$0x0];
	s2 =	stileid.u32  }
0x44: {  	s1 =	rddreg [dreg:$0x1];
	p0 =	sne.s32 s2, $0x0  }
0x45: {  	s3 =	rddreg [dreg:$0x2];
	[bflag:$0x3] =	sbarrier.arrive $0xFFFF;
	s2 =	simm.s32 @!p0 $0x1C01  }
0x46: {  	[timem:s3], [sflag:s2] =	dma.local @!p0 [hbm:s0], s1  }
0x47: {  	s0 =	simm.s32 @!p0 $0x1  }
0x48: {  	_ =	swait.ge @!p0 [sflag:s0], s1  }
0x49: {  	s1 =	ssub.s32 @!p0 $0x0, s1;
	[sflag:s0] =	ssyncset.done @!p0 $0x0  }
0x4a: {  	[sflag:s0] =	ssyncadd.s32 @!p0 s1  }
0x4b: {  	[bflag:$0x3] =	sbarrier.arrive $0xFFFF  }
0x4c: {  	_ =	shalt  }

// kernel: sparse-core-data-format-call.9.cloned.1.call-start
scs
called_computation.9_lowered:
.L_overlay_start_0:
0x0: {  	s1 =	sld [smem:$0x3FD9]  }
0x1: {  	s2 =	sld [smem:$0x3FFE];
	_ =	sdelay $0x1  }
0x2: {  	s3 =	srdreg.scid  }
0x3: {  	s0 =	sand.u32 $0x1, s3  }
0x4: {  	s17 =	sshll.u32 s0, $0xA;
	s1 =	sadd.s32 s2, s1  }
0x5: {  	s1 =	sadd.s32 s1, s17  }
0x6: {  	[smem:$0x3FB1] =	sst s1  }
0x7: {  	_ = 	snop  }
0x8: {  	(tm) =	ssettm $0x1  }
0x9: {  	s18 =	sld [smem:$0x3FFB];
	_ =	sdelay $0x3  }
0xa: {  	_ =	strace s18  }
0xb: {  	s1 =	sld [smem:$0x3FFC];
	_ =	sdelay $0x3  }
0xc: {  	_ =	strace s1  }
0xd: {  	s1 =	sld [smem:$0x3FFD];
	_ =	sdelay $0x3  }
0xe: {  	_ =	strace s1  }
0xf: {  	_ =	strace $0x8FFFFFFF  }
0x10: {  	s19 =	sld [smem:$0x3FDB];
	_ =	sdelay $0x1  }
0x11: {  	s20 =	simm.s32 $_scs_section_size  }
0x12: {  	s4 =	simm.s32 $_size__tile_overlayer_lowered;
	s5 =	simm.s32 $_tile_overlayer_lowered  }
0x13: {  	s23 =	simm.s32 $0x1BFF;
	s22 =	sshll.u32 s5, $0x1;
	s1 =	sadd.s32 s20, s19  }
0x14: {  	s6 =	simm.s32 $0x0;
	s21 =	sshll.u32 s4, $0x1;
	s4 =	sadd.s32 s22, s1  }
0x15: {  	[timem:s6], [sflag:s23] =	dma.local [hbm:s4], s21  }
0x16: {  	_ =	swait.ge [sflag:s23], s21  }
0x17: {  	s2 =	ssub.s32 $0x0, s21;
	[sflag:s23] =	ssyncset.done $0x0  }
0x18: {  	[sflag:s23] =	ssyncadd.s32 s2;
	_ =	sdelay $0x1  }
0x19: {  	s24 =	simm.s32 $0x1B8B  }
0x1a: {  	_ =	swait.ge [sflag:s24], $0x1  }
0x1b: {  	[sflag:s24] =	ssyncset.done $0x0  }
0x1c: {  	s26 =	simm.s32 $0x1B8E;
	s25 =	sld [smem:$0x3FFE];
	[sflag:s24] =	ssyncadd.s32 $0xFFFFFFFF  }
0x1d: {  	s27 =	simm.s32 $execute0_lowered;
	[smem:$0x3FD2] =	sst s26  }
0x1e: {  	s4 =	sshll.u32 s27, $0x1;
	_ =	strace $0x8000004F;
	[dreg:$0x1] =	wrdreg $0xFFFFFFFF  }
0x1f: {  	s28 =	simm.s32 $_size_execute0_lowered;
	s1 =	sadd.s32 s1, s4;
	[dreg:$0x0] =	wrdreg $0x0  }
0x20: {  	s4 =	sshll.u32 s28, $0x1;
	[dreg:$0x2] =	wrdreg s1  }
0x21: {  	[dreg:$0x3] =	wrdreg s4  }
0x22: {  	[dreg:$0x4] =	wrdreg $0xC0  }
0x23: {  	_ =	task [dreg:s6], $0x5FFFF  }
0x24: {  	[dreg:$0x1] =	wrdreg $0xFFFFFFFF  }
0x25: {  	[dreg:$0x0] =	wrdreg $0x60  }
0x26: {  	[dreg:$0x2] =	wrdreg s25  }
0x27: {  	[dreg:$0x3] =	wrdreg $0x9  }
0x28: {  	_ =	task.clear_ibuf [dreg:s6], $0x4FFFF;
	_ =	strace $0x9000004F  }
0x29: {  	s29 =	simm.s32 $0x9;
	_ =	strace $0x80000051  }
0x2a: {  	_ =	swait.ge [sflag:s29], $0x1  }
0x2b: {  	[sflag:s29] =	ssyncadd.s32 $0xFFFFFFFF  }
0x2c: {  	_ =	strace $0x90000051  }
0x2d: {  	_ =	sfence  }
0x2e: {  	s30 =	sld [smem:$0x0];
	_ =	sdelay $0x2  }
0x2f: {  	s31 =	sshll.u32 s3, $0xD;
	s3 =	sshrl.u32 s3, $0x2  }
0x30: {  	s2 =	sand.u32 $0x4000, s31;
	s1 =	sadd.s32 s3, s30  }
0x31: {  	s0 =	sor.u32 s2, s0;
	s1 =	sshll.u32 s1, $0x11  }
0x32: {  	s0 =	sor.u32 s1, s0  }
0x33: {  	s0 =	sadd.s32 $0x8F2B, s0  }
0x34: {  	[sflag:s0] =	ssyncadd.remote.s32 $0x1  }
0x35: {  	_ =	sfence.sel $0xFFFF  }
0x36: {  	[dreg:$0x0] =	wrdreg $0xFFFFFFFF;
	(pc) =	sbr.abs _section_cstart, $3  }
0x37: {  	[dreg:$0x1] =	wrdreg $0xFFFFFFFF  }
0x38: {  	_ =	task.clear_ibuf [dreg:s6], $0x2FFFF;
	_ =	strace $0x9FFFFFFF  }
0x39: {  	(tm) =	ssettm $0x7FFFFFFF  }
tec
execute0_lowered:
.L_overlay_start_1:
0x0: {  	(tag) =	ssettag $0x1  }
0x1: {  	s0 =	stileid.u32;
	s1 =	srdreg.scid  }
0x2: {  	s4 =	rddreg [dreg:$0x0];
	s7 =	simm.s32 $0x1;
	s31 =	simm.s32 $0x2  }
0x3: {  	s16 =	simm.s32 $0x0;
	s2 =	sshll.u32 s0, $0x5;
	s1 =	sshll.u32 s1, $0x9  }
0x4: {  	s9 =	simm.s32 $0x4000;
	s14 =	simm.s32 $0x0;
	s1 =	sor.u32 s2, s1  }
0x5: {  	s15 =	simm.s32 $0x0;
	s10 =	simm.s32 $0x0;
	s2 =	sand.u32 $0x380, s1  }
0x6: {  	s13 =	simm.s32 $0x0;
	s3 =	sadd.s32 $0x230000, s4;
	s5 =	ssub.s32 $0x800, s2  }
0x7: {  	s4 =	sadd.s32 $0x511C00, s4;
	s1 =	rddreg [dreg:$0x1];
	s6 =	sand.u32 $0x380, s5  }
.Ltmp0:
0x8: {  	_ =	strace $0x80000050;
	p0 =	sne.s32 s6, $0x0;
	(pc) =	sbr.rel .LBB1_1-.Ltmp0, $4  }
0x9: {  	s11 =	smov.u32 s2;
	s8 =	sshrl.u32 s5, $0xA;
	s7 =	simm.s32 @!p0 $0x0  }
0xa: {  	s5 =	sand.u32 $0x3, s0;
	s6 =	simm.s32 $0x1;
	s7 =	sadd.s32 s7, s8  }
0xb: {  	s12 =	smov.u32 s5;
	[sflag:s6] =	ssyncpa.u1 $0x0;
	s7 =	sshll.u32 s7, $0x4  }
0xc: {  	p0 =	por $0x0, $0x0;
	[sflag:s31] =	ssyncpa.u1 $0x0;
	s8 =	sor.u32 $0x1, s7  }
.LBB1_4:
0xd: {  	v5 =	vld [tilespmem:s19+$0xFFFFFFD0]  }
0xe: {  	[tilespmem:s20+$0x2040 ss:$0x81] =	vst.msk $0xffff, v1;
	v58 =	vld [tilespmem:s19+$0xFFFFFFE0]  }
0xf: {  	[tilespmem:s20+$0x2850 ss:$0x81] =	vst.msk $0xffff, v2;
	v59 =	vld [tilespmem:s19+$0xFFFFFFF0]  }
0x10: {  	s21 =	sshra.s32 s21, $0x2;
	[tilespmem:s20+$0x3060 ss:$0x81] =	vst.msk $0xffff, v3;
	v60 =	vld [tilespmem:s19+$0x0]  }
0x11: {  	[tilespmem:s20+$0x0 ss:$0x81] =	vst.msk $0xffff, v0;
	v61 =	vld [tilespmem:s19+$0x10];
	s18 =	sadd.s32 s21, s18  }
0x12: {  	s26 =	sshll.u32 s16, $0xB;
	v62 =	vld [tilespmem:s19+$0x20];
	[tilespmem:s18+$0x3870 ss:$0x81] =	vst.msk $0xffff, v4  }
0x13: {  	s27 =	sand.u32 $0x78, s14;
	s22 =	sshll.u32 s14, $0x3;
	v63 =	vld [tilespmem:s19+$0xFFFFFFC0];
	s29 =	sshll.u32 s16, $0x7;
	[tilespmem:s18+$0x810 ss:$0x81] =	vst.msk $0xffff, v5  }
0x14: {  	s15 =	sshll.u32 s15, $0x13;
	s20 =	sand.u32 $0x3FC000, s26;
	s28 =	sand.u32 $0x3FFC00, s22;
	[tilespmem:s18+$0x1020 ss:$0x81] =	vst.msk $0xffff, v58  }
0x15: {  	s31 =	sand.u32 $0x7, s14;
	s22 =	sand.u32 $0x400, s22;
	s19 =	sadd.s32 s28, s20;
	[tilespmem:s18+$0x1830 ss:$0x81] =	vst.msk $0xffff, v59  }
0x16: {  	s16 =	sand.u32 $0x380, s29;
	s30 =	sor.u32 s27, s22;
	s19 =	sshrl.u32 s19, $0x3;
	[tilespmem:s18+$0x2040 ss:$0x81] =	vst.msk $0xffff, v60  }
0x17: {  	s15 =	sadd.s32 s4, s15;
	s16 =	sor.u32 s16, s30;
	s19 =	sand.u32 $0x7FF00, s19;
	[tilespmem:s18+$0x2850 ss:$0x81] =	vst.msk $0xffff, v61  }
0x18: {  	s14 =	sshll.u32 s31, $0x12;
	s16 =	sshrl.u32 s16, $0x3;
	[tilespmem:s18+$0x3060 ss:$0x81] =	vst.msk $0xffff, v62;
	s15 =	sadd.s32 s19, s15  }
0x19: {  	s14 =	sor.u32 $0x400, s14;
	[tilespmem:s18+$0x0 ss:$0x81] =	vst.msk $0xffff, v63;
	s15 =	sadd.s32 s16, s15  }
0x1a: {  	[hbm4b:s15+s14] =	stream.strided.scatter [tilespmem:s17], [sflag:$0x2], $0x4000, s9, s14, $0x20;
	[tilespmem:$0x10100] =	vst v63  }
.LBB1_5:
0x1b: {  	s17 =	sadd.s32 $0x80, s10  }
0x1c: {  	s14 =	sadd.s32 $0x400, s11;
	s18 =	smov.u32 s11;
	p2 =	sgt.s32 s17, $0x7FF  }
0x1d: {  	s18 =	smov.u32 @p2 s14  }
0x1e: {  	s20 =	smov.u32 s12;
	s14 =	sadd.s32 $0x4, s12;
	p3 =	sgt.s32 s18, $0x7FF  }
0x1f: {  	s20 =	smov.u32 @p3 s14  }
0x20: {  	s17 =	simm.s32 @p2 $0x0;
	p2 =	sgt.s32 s20, $0x3  }
0x21: {  	p1 =	slt.u32 s13, $0x2;
	s20 =	smov.u32 @p2 s5;
	p2 =	sne.s32 s13, s8  }
.Ltmp1:
0x22: {  	s19 =	simm.s32 @!p1 $0x2;
	(pc) =	sbr.rel @!p2 .LBB1_6-.Ltmp1, $4  }
0x23: {  	s16 =	smov.u32 s10;
	s15 =	smov.u32 s12;
	_ =	swait.ge @!p1 [sflag:s19], $0x4000  }
0x24: {  	p0 =	por !p0, !p0;
	[sflag:s19] =	ssyncset.done @!p1 $0x0;
	s10 =	smov.u32 s17  }
0x25: {  	s18 =	smov.u32 @p3 s2;
	s14 =	smov.u32 s11;
	[sflag:s19] =	ssyncadd.s32 @!p1 $0xFFFFC000  }
0x26: {  	s11 =	smov.u32 s18;
	s13 =	sadd.s32 $0x1, s13;
	s12 =	smov.u32 s20  }
.LBB1_1:
0x27: {  	p1 =	sge.u32 s13, s7;
	s31 =	sadd.s32 $0xFFFFFFFF, s13  }
0x28: {  	s17 =	sxor.u32 @!p1 $0xFFFFFFFF, s13;
	s18 =	sand.u32 @!p1 $0x78, s10;
	s19 =	sshll.u32 @!p1 s11, $0xB  }
0x29: {  	s20 =	sshll.u32 @!p1 s11, $0x7;
	s21 =	sshll.u32 @!p1 s10, $0x3;
	s17 =	sshll.u32 @!p1 s17, $0xE  }
0x2a: {  	s19 =	sand.u32 @!p1 $0x3FC000, s19;
	s20 =	sand.u32 @!p1 $0x380, s20;
	s17 =	sand.u32 @!p1 $0x4000, s17  }
0x2b: {  	s19 =	sadd.s32 @!p1 s19, s21;
	s21 =	sand.u32 @!p1 $0x400, s21;
	s18 =	sor.u32 @!p1 s20, s18  }
0x2c: {  	s20 =	sshll.u32 @!p1 s12, $0x13;
	s18 =	sor.u32 @!p1 s21, s18;
	s19 =	sshrl.u32 @!p1 s19, $0x3  }
0x2d: {  	s20 =	sadd.s32 @!p1 s3, s20;
	s21 =	sand.u32 @!p1 $0x7, s10;
	s19 =	sand.u32 @!p1 $0x7FF00, s19  }
0x2e: {  	s18 =	sshrl.u32 @!p1 s18, $0x3;
	s19 =	sadd.s32 @!p1 s19, s20;
	s20 =	sshll.u32 @!p1 s21, $0x12  }
0x2f: {  	s18 =	sadd.s32 @!p1 s18, s19;
	s19 =	sor.u32 @!p1 $0x400, s20;
	s20 =	simm.s32 @!p1 $0x4000  }
0x30: {  	[tilespmem:s17], [sflag:$0x1] =	stream.strided.gather @!p1 [hbm4b:s18+s19], $0x4000, s20, s19, $0x38;
	[tilespmem:$0x10100] =	vst v63  }
0x31: {  	p1 =	sge.u32 s31, s7  }
.Ltmp2:
0x32: {  	_ = 	snop;
	(pc) =	sbr.rel @p1 .LBB1_5-.Ltmp2, $1  }
0x33: {  	_ =	sdelay $0x3  }
0x34: {  	s17 =	simm.s32 $0x1  }
0x35: {  	_ =	swait.ge [sflag:s6], $0x4000;
	s17 =	simm.s32 @!p0 $0x0  }
0x36: {  	[sflag:s6] =	ssyncset.done $0x0;
	s18 =	sshll.u32 s17, $0xE  }
0x37: {  	[sflag:s6] =	ssyncadd.s32 $0xFFFFC000;
	s19 =	sor.u32 $0x40, s18  }
0x38: {  	s17 =	smul.u32 $0x10200, s17;
	v0 =	vld [tilespmem:s19+$0x30]  }
0x39: {  	v3 =	vld [tilespmem:s19+$0xFFFFFFD0]  }
0x3a: {  	s17 =	sshrl.u32 s17, $0x2;
	v4 =	vld [tilespmem:s19+$0xFFFFFFE0]  }
0x3b: {  	v5 =	vld [tilespmem:s19+$0xFFFFFFF0];
	s18 =	sor.u32 $0x8000, s17  }
0x3c: {  	s31 =	sand.u32 $0x1, s13;
	v1 =	vld [tilespmem:s19+$0x0];
	s20 =	sadd.s32 $0x0, s18  }
0x3d: {  	v2 =	vld [tilespmem:s19+$0x10];
	s17 =	smul.u32 $0x10200, s31;
	[tilespmem:s20+$0x3870 ss:$0x81] =	vst.msk $0xffff, v0  }
0x3e: {  	[tilespmem:s20+$0x810 ss:$0x81] =	vst.msk $0xffff, v3;
	v3 =	vld [tilespmem:s19+$0x20]  }
0x3f: {  	s17 =	sshrl.u32 s17, $0x2;
	v0 =	vld [tilespmem:s19+$0xFFFFFFC0];
	[tilespmem:s20+$0x1020 ss:$0x81] =	vst.msk $0xffff, v4;
	s19 =	sadd.s32 $0x80, s19  }
0x40: {  	s21 =	simm.s32 $0x4;
	s22 =	simm.s32 $0x8;
	s17 =	sor.u32 $0x8000, s17;
	[tilespmem:s20+$0x1830 ss:$0x81] =	vst.msk $0xffff, v5;
	v4 =	vld [tilespmem:s19+$0x30]  }
.LBB1_3:
0x41: {  	p1 =	sne.s32 s22, $0x1FC;
	v5 =	vld [tilespmem:s19+$0xFFFFFFD0];
	[tilespmem:s20+$0x2040 ss:$0x81] =	vst.msk $0xffff, v1  }
0x42: {  	v6 =	vld [tilespmem:s19+$0xFFFFFFE0];
	[tilespmem:s20+$0x2850 ss:$0x81] =	vst.msk $0xffff, v2  }
0x43: {  	s23 =	sshra.s32 s21, $0x2;
	s21 =	smov.u32 s22;
	v7 =	vld [tilespmem:s19+$0xFFFFFFF0];
	[tilespmem:s20+$0x3060 ss:$0x81] =	vst.msk $0xffff, v3  }
.Ltmp3:
0x44: {  	v1 =	vld [tilespmem:s19+$0x0];
	[tilespmem:s20+$0x0 ss:$0x81] =	vst.msk $0xffff, v0;
	s20 =	sadd.s32 s23, s18;
	(pc) =	sbr.rel @p1 .LBB1_3-.Ltmp3, $4  }
0x45: {  	v2 =	vld [tilespmem:s19+$0x10];
	[tilespmem:s20+$0x3870 ss:$0x81] =	vst.msk $0xffff, v4  }
0x46: {  	[tilespmem:s20+$0x810 ss:$0x81] =	vst.msk $0xffff, v5;
	v3 =	vld [tilespmem:s19+$0x20]  }
0x47: {  	v0 =	vld [tilespmem:s19+$0xFFFFFFC0];
	[tilespmem:s20+$0x1020 ss:$0x81] =	vst.msk $0xffff, v6;
	s19 =	sadd.s32 $0x80, s19  }
0x48: {  	s22 =	sadd.s32 $0x4, s22;
	v4 =	vld [tilespmem:s19+$0x30];
	[tilespmem:s20+$0x1830 ss:$0x81] =	vst.msk $0xffff, v7  }
.Ltmp4:
0x49: {  	_ = 	snop;
	(pc) =	sbr.rel .LBB1_4-.Ltmp4, $1  }
0x4a: {  	_ =	sdelay $0x3  }
.LBB1_6:
0x4b: {  	_ =	sfence.sel $0x180000  }
0x4c: {  	s2 =	simm.s32 $0x1;
	[bflag:$0x0] =	sbarrier.arrive $0xFFFF  }
0x4d: {  	s31 =	simm.s32 $0x2;
	[sflag:s2] =	ssyncpa.u1 $0x1  }
0x4e: {  	[sflag:s31] =	ssyncpa.u1 $0x1  }
0x4f: {  	p0 =	sne.s32 s0, $0x0;
	_ =	strace $0x90000050  }
0x50: {  	s0 =	sadd.s32 @!p0 $0x100000, s1;
	[bflag:$0x2] =	sbarrier.arrive $0xFFFF  }
0x51: {  	[sflag:s0] =	ssyncadd.tile.s32 @!p0 $0x1;
	_ =	shalt  }
.Lfunc_end1:
_tile_overlayer_lowered:
.L_overlay_start_2:
0x52: {  	(tag) =	ssettag $0x2  }
0x53: {  	s0 =	rddreg [dreg:$0x0];
	s2 =	stileid.u32  }
0x54: {  	s1 =	rddreg [dreg:$0x1];
	p0 =	sne.s32 s2, $0x0  }
0x55: {  	s3 =	rddreg [dreg:$0x2];
	[bflag:$0x3] =	sbarrier.arrive $0xFFFF;
	s2 =	simm.s32 @!p0 $0x1C01  }
0x56: {  	[timem:s3], [sflag:s2] =	dma.local @!p0 [hbm:s0], s1  }
0x57: {  	s0 =	simm.s32 @!p0 $0x1  }
0x58: {  	_ =	swait.ge @!p0 [sflag:s0], s1  }
0x59: {  	s1 =	ssub.s32 @!p0 $0x0, s1;
	[sflag:s0] =	ssyncset.done @!p0 $0x0  }
0x5a: {  	[sflag:s0] =	ssyncadd.s32 @!p0 s1  }
0x5b: {  	[bflag:$0x3] =	sbarrier.arrive $0xFFFF  }
0x5c: {  	_ =	shalt  }

// kernel: sparse-core-data-format-call.cloned.1.call-start
scs
called_computation_lowered:
.L_overlay_start_0:
0x0: {  	s1 =	sld [smem:$0x3FD9]  }
0x1: {  	s2 =	sld [smem:$0x3FFE];
	_ =	sdelay $0x1  }
0x2: {  	s3 =	srdreg.scid  }
0x3: {  	s0 =	sand.u32 $0x1, s3  }
0x4: {  	s17 =	sshll.u32 s0, $0xA;
	s1 =	sadd.s32 s2, s1  }
0x5: {  	s1 =	sadd.s32 s1, s17  }
0x6: {  	[smem:$0x3FB1] =	sst s1  }
0x7: {  	_ = 	snop  }
0x8: {  	(tm) =	ssettm $0x1  }
0x9: {  	s18 =	sld [smem:$0x3FFB];
	_ =	sdelay $0x3  }
0xa: {  	_ =	strace s18  }
0xb: {  	s1 =	sld [smem:$0x3FFC];
	_ =	sdelay $0x3  }
0xc: {  	_ =	strace s1  }
0xd: {  	s1 =	sld [smem:$0x3FFD];
	_ =	sdelay $0x3  }
0xe: {  	_ =	strace s1  }
0xf: {  	_ =	strace $0x8FFFFFFF  }
0x10: {  	s19 =	sld [smem:$0x3FDB];
	_ =	sdelay $0x1  }
0x11: {  	s20 =	simm.s32 $_scs_section_size  }
0x12: {  	s4 =	simm.s32 $_size__tile_overlayer_lowered;
	s5 =	simm.s32 $_tile_overlayer_lowered  }
0x13: {  	s23 =	simm.s32 $0x1BFF;
	s22 =	sshll.u32 s5, $0x1;
	s1 =	sadd.s32 s20, s19  }
0x14: {  	s6 =	simm.s32 $0x0;
	s21 =	sshll.u32 s4, $0x1;
	s4 =	sadd.s32 s22, s1  }
0x15: {  	[timem:s6], [sflag:s23] =	dma.local [hbm:s4], s21  }
0x16: {  	_ =	swait.ge [sflag:s23], s21  }
0x17: {  	s2 =	ssub.s32 $0x0, s21;
	[sflag:s23] =	ssyncset.done $0x0  }
0x18: {  	[sflag:s23] =	ssyncadd.s32 s2;
	_ =	sdelay $0x1  }
0x19: {  	s24 =	simm.s32 $0x1B8B  }
0x1a: {  	_ =	swait.ge [sflag:s24], $0x1  }
0x1b: {  	[sflag:s24] =	ssyncset.done $0x0  }
0x1c: {  	s26 =	simm.s32 $0x1B8E;
	s25 =	sld [smem:$0x3FFE];
	[sflag:s24] =	ssyncadd.s32 $0xFFFFFFFF  }
0x1d: {  	s27 =	simm.s32 $execute0_lowered;
	[smem:$0x3FD2] =	sst s26  }
0x1e: {  	s4 =	sshll.u32 s27, $0x1;
	_ =	strace $0x8000006A;
	[dreg:$0x1] =	wrdreg $0xFFFFFFFF  }
0x1f: {  	s28 =	simm.s32 $_size_execute0_lowered;
	s1 =	sadd.s32 s1, s4;
	[dreg:$0x0] =	wrdreg $0x0  }
0x20: {  	s4 =	sshll.u32 s28, $0x1;
	[dreg:$0x2] =	wrdreg s1  }
0x21: {  	[dreg:$0x3] =	wrdreg s4  }
0x22: {  	[dreg:$0x4] =	wrdreg $0xC0  }
0x23: {  	_ =	task [dreg:s6], $0x5FFFF  }
0x24: {  	[dreg:$0x1] =	wrdreg $0xFFFFFFFF  }
0x25: {  	[dreg:$0x0] =	wrdreg $0x60  }
0x26: {  	[dreg:$0x2] =	wrdreg s25  }
0x27: {  	[dreg:$0x3] =	wrdreg $0x9  }
0x28: {  	_ =	task.clear_ibuf [dreg:s6], $0x4FFFF;
	_ =	strace $0x9000006A  }
0x29: {  	s29 =	simm.s32 $0x9;
	_ =	strace $0x8000006C  }
0x2a: {  	_ =	swait.ge [sflag:s29], $0x1  }
0x2b: {  	[sflag:s29] =	ssyncadd.s32 $0xFFFFFFFF  }
0x2c: {  	_ =	strace $0x9000006C  }
0x2d: {  	_ =	sfence  }
0x2e: {  	s30 =	sld [smem:$0x0];
	_ =	sdelay $0x2  }
0x2f: {  	s31 =	sshll.u32 s3, $0xD;
	s3 =	sshrl.u32 s3, $0x2  }
0x30: {  	s2 =	sand.u32 $0x4000, s31;
	s1 =	sadd.s32 s3, s30  }
0x31: {  	s0 =	sor.u32 s2, s0;
	s1 =	sshll.u32 s1, $0x11  }
0x32: {  	s0 =	sor.u32 s1, s0  }
0x33: {  	s0 =	sadd.s32 $0x8F2B, s0  }
0x34: {  	[sflag:s0] =	ssyncadd.remote.s32 $0x1  }
0x35: {  	_ =	sfence.sel $0xFFFF  }
0x36: {  	[dreg:$0x0] =	wrdreg $0xFFFFFFFF;
	(pc) =	sbr.abs _section_cstart, $3  }
0x37: {  	[dreg:$0x1] =	wrdreg $0xFFFFFFFF  }
0x38: {  	_ =	task.clear_ibuf [dreg:s6], $0x2FFFF;
	_ =	strace $0x9FFFFFFF  }
0x39: {  	(tm) =	ssettm $0x7FFFFFFF  }
tec
execute0_lowered:
.L_overlay_start_1:
0x0: {  	(tag) =	ssettag $0x1  }
0x1: {  	s0 =	stileid.u32  }
0x2: {  	s1 =	srdreg.scid;
	s3 =	rddreg [dreg:$0x0];
	s7 =	simm.s32 $0x1  }
0x3: {  	s6 =	simm.s32 $0x1;
	s2 =	sshll.u32 s0, $0x5;
	s1 =	sshll.u32 s1, $0x9  }
0x4: {  	s31 =	simm.s32 $0x2;
	s14 =	simm.s32 $0x0;
	s1 =	sor.u32 s2, s1  }
0x5: {  	s9 =	simm.s32 $0x4000;
	s15 =	simm.s32 $0x0;
	s2 =	sand.u32 $0x380, s1  }
0x6: {  	s16 =	simm.s32 $0x0;
	s10 =	simm.s32 $0x0;
	s5 =	ssub.s32 $0x800, s2  }
0x7: {  	s13 =	simm.s32 $0x0;
	s1 =	rddreg [dreg:$0x1];
	s4 =	sand.u32 $0x380, s5  }
.Ltmp0:
0x8: {  	_ =	strace $0x8000006B;
	p0 =	sne.s32 s4, $0x0;
	(pc) =	sbr.rel .LBB1_1-.Ltmp0, $4  }
0x9: {  	[sflag:s6] =	ssyncpa.u1 $0x0;
	s8 =	sshrl.u32 s5, $0xA;
	s7 =	simm.s32 @!p0 $0x0  }
0xa: {  	s11 =	smov.u32 s2;
	s5 =	sand.u32 $0x3, s0;
	s7 =	sadd.s32 s7, s8  }
0xb: {  	[sflag:s31] =	ssyncpa.u1 $0x0;
	s4 =	sadd.s32 $0x270000, s3;
	s7 =	sshll.u32 s7, $0x4  }
0xc: {  	s12 =	smov.u32 s5;
	p0 =	por $0x0, $0x0;
	s8 =	sor.u32 $0x1, s7  }
.LBB1_4:
0xd: {  	s19 =	sshll.u32 s15, $0x3  }
0xe: {  	s20 =	sand.u32 $0x78, s15;
	s16 =	sshll.u32 s16, $0x12;
	s30 =	sand.u32 $0x3F00, s15  }
0xf: {  	s14 =	sshll.u32 s14, $0xE;
	s19 =	sand.u32 $0x400, s19;
	s16 =	sadd.s32 s4, s16  }
0x10: {  	[tilespmem:s18+$0x810 ss:$0x81] =	vst.msk $0xffff, v2;
	s31 =	sand.u32 $0x7, s15;
	s19 =	sor.u32 s20, s19;
	s16 =	sadd.s32 s30, s16  }
0x11: {  	[tilespmem:s18+$0x1020 ss:$0x81] =	vst.msk $0xffff, v0;
	s15 =	sshll.u32 s31, $0x12;
	s19 =	sshrl.u32 s19, $0x3;
	s14 =	sadd.s32 s14, s16  }
0x12: {  	[tilespmem:s18+$0x0 ss:$0x81] =	vst.msk $0xffff, v1;
	s15 =	sor.u32 $0x400, s15;
	s14 =	sadd.s32 s19, s14  }
0x13: {  	[hbm4b:s14+s15] =	stream.strided.scatter [tilespmem:s17], [sflag:$0x2], $0x2000, s9, s15, $0x20;
	[tilespmem:$0x8080] =	vst v63  }
.LBB1_5:
0x14: {  	s17 =	sadd.s32 $0x1, s10  }
0x15: {  	s14 =	sadd.s32 $0x400, s11;
	s18 =	smov.u32 s11;
	p2 =	sgt.s32 s17, $0xF  }
0x16: {  	s18 =	smov.u32 @p2 s14  }
0x17: {  	s20 =	smov.u32 s12;
	s14 =	sadd.s32 $0x4, s12;
	p3 =	sgt.s32 s18, $0x7FF  }
0x18: {  	s20 =	smov.u32 @p3 s14  }
0x19: {  	s17 =	simm.s32 @p2 $0x0;
	p2 =	sgt.s32 s20, $0x3  }
0x1a: {  	p1 =	slt.u32 s13, $0x2;
	s20 =	smov.u32 @p2 s5;
	p2 =	sne.s32 s13, s8  }
.Ltmp1:
0x1b: {  	s19 =	simm.s32 @!p1 $0x2;
	(pc) =	sbr.rel @!p2 .LBB1_6-.Ltmp1, $4  }
0x1c: {  	s15 =	smov.u32 s11;
	s16 =	smov.u32 s12;
	_ =	swait.ge @!p1 [sflag:s19], $0x2000  }
0x1d: {  	p0 =	por !p0, !p0;
	[sflag:s19] =	ssyncset.done @!p1 $0x0;
	s18 =	smov.u32 @p3 s2  }
0x1e: {  	s14 =	smov.u32 s10;
	[sflag:s19] =	ssyncadd.s32 @!p1 $0xFFFFE000;
	s10 =	smov.u32 s17  }
0x1f: {  	s11 =	smov.u32 s18;
	s13 =	sadd.s32 $0x1, s13;
	s12 =	smov.u32 s20  }
.LBB1_1:
0x20: {  	p1 =	sge.u32 s13, s7;
	s31 =	sadd.s32 $0xFFFFFFFF, s13  }
0x21: {  	s17 =	sxor.u32 @!p1 $0xFFFFFFFF, s13;
	s18 =	sshll.u32 @!p1 s12, $0x13;
	s19 =	sshll.u32 @!p1 s11, $0x8  }
0x22: {  	s20 =	sshll.u32 @!p1 s10, $0x4;
	s17 =	sshll.u32 @!p1 s17, $0xD;
	s18 =	sadd.s32 @!p1 s3, s18  }
0x23: {  	s20 =	sand.u32 @!p1 $0xF0, s20;
	s17 =	sand.u32 @!p1 $0x2000, s17;
	s18 =	sadd.s32 @!p1 s19, s18  }
0x24: {  	s19 =	simm.s32 @!p1 $0x40;
	s18 =	sadd.s32 @!p1 s20, s18;
	s20 =	simm.s32 @!p1 $0x800  }
0x25: {  	[tilespmem:s17], [sflag:$0x1] =	stream.strided.gather @!p1 [hbm4b:s18+s19], $0x2000, s20, s19, $0x38;
	[tilespmem:$0x8080] =	vst v63  }
0x26: {  	p1 =	sge.u32 s31, s7  }
.Ltmp2:
0x27: {  	_ = 	snop;
	(pc) =	sbr.rel @p1 .LBB1_5-.Ltmp2, $1  }
0x28: {  	_ =	sdelay $0x3  }
0x29: {  	s17 =	simm.s32 $0x1  }
0x2a: {  	_ =	swait.ge [sflag:s6], $0x2000;
	s17 =	simm.s32 @!p0 $0x0  }
0x2b: {  	[sflag:s6] =	ssyncset.done $0x0;
	s18 =	sshll.u32 s17, $0xD  }
0x2c: {  	[sflag:s6] =	ssyncadd.s32 $0xFFFFE000;
	s21 =	sor.u32 $0x20, s18  }
0x2d: {  	s17 =	smul.u32 $0x8100, s17;
	v3 =	vld [tilespmem:s21+$0x10]  }
0x2e: {  	s30 =	sand.u32 $0x1, s13;
	v2 =	vld [tilespmem:s21+$0xFFFFFFF0]  }
0x2f: {  	s18 =	smul.u32 $0x8100, s30;
	s17 =	sshrl.u32 s17, $0x2;
	v0 =	vld [tilespmem:s21+$0x0]  }
0x30: {  	v1 =	vld [tilespmem:s21+$0xFFFFFFE0];
	s19 =	sor.u32 $0x4000, s17  }
0x31: {  	s31 =	sshrl.u32 s18, $0x2;
	s18 =	sadd.s32 $0x0, s19  }
0x32: {  	s20 =	simm.s32 $0x4;
	s21 =	sadd.s32 $0x40, s21;
	s17 =	sor.u32 $0x4000, s31;
	[tilespmem:s18+$0x1830 ss:$0x81] =	vst.msk $0xffff, v3  }
.LBB1_3:
0x33: {  	v3 =	vld [tilespmem:s21+$0x10];
	p1 =	sne.s32 s20, $0x1FC;
	[tilespmem:s18+$0x810 ss:$0x81] =	vst.msk $0xffff, v2;
	s22 =	smov.u32 s20;
	s20 =	sadd.s32 $0x4, s20  }
.Ltmp3:
0x34: {  	v2 =	vld [tilespmem:s21+$0xFFFFFFF0];
	[tilespmem:s18+$0x1020 ss:$0x81] =	vst.msk $0xffff, v0;
	(pc) =	sbr.rel @p1 .LBB1_3-.Ltmp3, $4  }
0x35: {  	v0 =	vld [tilespmem:s21+$0x0];
	[tilespmem:s18+$0x0 ss:$0x81] =	vst.msk $0xffff, v1  }
0x36: {  	s18 =	sshra.s32 s22, $0x2;
	v1 =	vld [tilespmem:s21+$0xFFFFFFE0]  }
0x37: {  	s18 =	sadd.s32 s18, s19  }
0x38: {  	s21 =	sadd.s32 $0x40, s21;
	[tilespmem:s18+$0x1830 ss:$0x81] =	vst.msk $0xffff, v3  }
.Ltmp4:
0x39: {  	_ = 	snop;
	(pc) =	sbr.rel .LBB1_4-.Ltmp4, $1  }
0x3a: {  	_ =	sdelay $0x3  }
.LBB1_6:
0x3b: {  	_ =	sfence.sel $0x180000  }
0x3c: {  	s2 =	simm.s32 $0x1;
	[bflag:$0x0] =	sbarrier.arrive $0xFFFF  }
0x3d: {  	s31 =	simm.s32 $0x2;
	[sflag:s2] =	ssyncpa.u1 $0x1  }
0x3e: {  	[sflag:s31] =	ssyncpa.u1 $0x1  }
0x3f: {  	p0 =	sne.s32 s0, $0x0;
	_ =	strace $0x9000006B  }
0x40: {  	s0 =	sadd.s32 @!p0 $0x100000, s1;
	[bflag:$0x2] =	sbarrier.arrive $0xFFFF  }
0x41: {  	[sflag:s0] =	ssyncadd.tile.s32 @!p0 $0x1;
	_ =	shalt  }
.Lfunc_end1:
_tile_overlayer_lowered:
.L_overlay_start_2:
0x42: {  	(tag) =	ssettag $0x2  }
0x43: {  	s0 =	rddreg [dreg:$0x0];
	s2 =	stileid.u32  }
0x44: {  	s1 =	rddreg [dreg:$0x1];
	p0 =	sne.s32 s2, $0x0  }
0x45: {  	s3 =	rddreg [dreg:$0x2];
	[bflag:$0x3] =	sbarrier.arrive $0xFFFF;
	s2 =	simm.s32 @!p0 $0x1C01  }
0x46: {  	[timem:s3], [sflag:s2] =	dma.local @!p0 [hbm:s0], s1  }
0x47: {  	s0 =	simm.s32 @!p0 $0x1  }
0x48: {  	_ =	swait.ge @!p0 [sflag:s0], s1  }
0x49: {  	s1 =	ssub.s32 @!p0 $0x0, s1;
	[sflag:s0] =	ssyncset.done @!p0 $0x0  }
0x4a: {  	[sflag:s0] =	ssyncadd.s32 @!p0 s1  }
0x4b: {  	[bflag:$0x3] =	sbarrier.arrive $0xFFFF  }
0x4c: {  	_ =	shalt  }

</sc_bundles>
